<compile_context>
chip_gen: v7x
topology: tpu7x:2x2x1
jax: 0.10.2.dev20260603
libtpu: 0.0.44.dev20260713+nightly
codegen_flags: <defaults>
</compile_context>

<pallas_src>
import jax
import jax.numpy as jnp
from jax import lax
from jax.experimental import pallas as pl
from jax.experimental.pallas import tpu as pltpu
from jax.experimental.pallas import tpu_sc as plsc

_NC = 2
_NS = 16
_NW = _NC * _NS

_N_NODES = 10000
_N_ROWS = 320000
_D = 128
_B_PER_W = _N_ROWS // _NW
_CHUNK = 104
_NBUF = 3
_N_CHUNKS = _B_PER_W // _CHUNK
_TAIL = _B_PER_W - _N_CHUNKS * _CHUNK
_ROWS_PER_TILE = 624
_STAGE_TAIL = _N_NODES - _ROWS_PER_TILE * _NS


def _gather_kernel(x_hbm, idx_hbm, out_hbm, x_sh, idx_v, rows_v, sems,
                   stg_sem, idx_sem, tail_sem):
    sid = lax.axis_index("s")
    wid = sid * _NC + lax.axis_index("c")
    base = wid * _B_PER_W

    stg = pltpu.async_copy(
        x_hbm.at[pl.ds(sid * _ROWS_PER_TILE, _ROWS_PER_TILE)],
        x_sh.at[pl.ds(sid * _ROWS_PER_TILE, _ROWS_PER_TILE)], stg_sem)
    idx_cp = pltpu.async_copy(idx_hbm.at[pl.ds(base, _B_PER_W)], idx_v,
                              idx_sem)

    @pl.when(sid == 0)
    def _():
        pltpu.async_copy(x_hbm.at[pl.ds(_ROWS_PER_TILE * _NS, _STAGE_TAIL)],
                         x_sh.at[pl.ds(_ROWS_PER_TILE * _NS, _STAGE_TAIL)],
                         tail_sem)

    def _start(g, buf, nrows=_CHUNK, src=None):
        pltpu.async_copy(
            (x_sh if src is None else src).at[idx_v.at[pl.ds(g * _CHUNK,
                                                             nrows)]],
            rows_v.at[buf].at[pl.ds(0, nrows)],
            sems.at[buf],
        )

    def _finish(g, buf, nrows=_CHUNK, src=None):
        pltpu.make_async_copy(
            (x_sh if src is None else src).at[idx_v.at[pl.ds(g * _CHUNK,
                                                             nrows)]],
            rows_v.at[buf].at[pl.ds(0, nrows)],
            sems.at[buf],
        ).wait()
        pltpu.sync_copy(rows_v.at[buf].at[pl.ds(0, nrows)],
                        out_hbm.at[pl.ds(base + g * _CHUNK, nrows)])

    idx_cp.wait()
    for b in range(_NBUF):
        _start(b, b, src=x_hbm)

    stg.wait()

    @pl.when(sid == 0)
    def _():
        pltpu.make_async_copy(
            x_hbm.at[pl.ds(_ROWS_PER_TILE * _NS, _STAGE_TAIL)],
            x_sh.at[pl.ds(_ROWS_PER_TILE * _NS, _STAGE_TAIL)],
            tail_sem).wait()
    plsc.subcore_barrier()

    for b in range(_NBUF):
        _finish(b, b, src=x_hbm)
        _start(b + _NBUF, b)

    def body(i, _):
        g = _NBUF + i * _NBUF
        for b in range(_NBUF):
            _finish(g + b, b)
            _start(g + b + _NBUF, b)
        return _

    lax.fori_loop(0, (_N_CHUNKS - 2 * _NBUF) // _NBUF, body, None)
    _finish(_N_CHUNKS - _NBUF, (_N_CHUNKS - _NBUF) % _NBUF)
    _start(_N_CHUNKS, _N_CHUNKS % _NBUF, _TAIL)
    for g in range(_N_CHUNKS - _NBUF + 1, _N_CHUNKS):
        _finish(g, g % _NBUF)
    _finish(_N_CHUNKS, _N_CHUNKS % _NBUF, _TAIL)


@jax.jit
def _gather(x, index):
    run = pl.kernel(
        _gather_kernel,
        out_type=jax.ShapeDtypeStruct((_N_ROWS, _D), jnp.float32),
        mesh=plsc.VectorSubcoreMesh(core_axis_name="c", subcore_axis_name="s",
                                    num_cores=_NC, num_subcores=_NS),
        scratch_types=[
            pltpu.VMEM_SHARED((_N_NODES, _D), jnp.float32),
            pltpu.VMEM((_B_PER_W,), jnp.int32),
            pltpu.VMEM((_NBUF, _CHUNK, _D), jnp.float32),
            pltpu.SemaphoreType.DMA((_NBUF,)),
            pltpu.SemaphoreType.DMA,
            pltpu.SemaphoreType.DMA,
            pltpu.SemaphoreType.DMA,
        ],
    )
    return run(x, index)


def kernel(x, index):
    return _gather(x, jnp.reshape(index, (-1,)).astype(jnp.int32))

# --- scband reference (transcript-rebuilt; emitter-appended) ---
"""Pipeline reference for scband-broadcast-20272245637566 (READ-ONLY COPY).

The authoritative reference and input builder live on the scoring server;
editing this copy changes nothing except your own understanding.
"""

import jax, jax.numpy as jnp
import numpy as np


def setup_inputs(seed: int = 0) -> dict:
    key = jax.random.key(seed)
    k1, k2 = jax.random.split(key)
    x = jax.random.normal(k1, (10000, 128), dtype=jnp.float32)
    index = jax.random.randint(k2, (320000,), 0, 10000, dtype=jnp.int64 if jax.config.jax_enable_x64 else jnp.int32)
    return {"x": x, "index": index}


def reference(x, index):
    # Broadcast atom (node) features to edges: gather x rows by flattened index
    idx = jnp.reshape(index, (-1,))
    return jnp.take(x, idx, axis=0)

if __name__ == "__main__":
    import jax
    _d = setup_inputs()
    print(jax.jit(kernel)(*tuple(_d.values())))

</pallas_src>

<mosaic_0001>
#map = affine_map<(d0, d1) -> (0, 0)>
#map1 = affine_map<(d0, d1) -> (0)>
module attributes {stable_mosaic.version = 14 : i64} {
  func.func @_gather_kernel(%arg0: i32, %arg1: i32, %arg2: memref<10000x128xf32, #tpu.memory_space<hbm>>, %arg3: memref<320000xi32, #tpu.memory_space<hbm>>, %arg4: memref<320000x128xf32, #tpu.memory_space<hbm>>, %arg5: memref<10000x128xf32, #tpu.memory_space<vmem_shared>>, %arg6: memref<10000xi32, #tpu.memory_space<vmem>>, %arg7: memref<3x104x128xf32, #tpu.memory_space<vmem>>, %arg8: memref<3x!tpu.dma_semaphore, #tpu.memory_space<semaphore_mem>>, %arg9: memref<!tpu.dma_semaphore, #tpu.memory_space<semaphore_mem>>, %arg10: memref<!tpu.dma_semaphore, #tpu.memory_space<semaphore_mem>>, %arg11: memref<!tpu.dma_semaphore, #tpu.memory_space<semaphore_mem>>) attributes {dimension_semantics = [#tpu.dimension_semantics<core_parallel>, #tpu.dimension_semantics<subcore_parallel>], iteration_bounds = array<i64: 2, 16>, scalar_prefetch = 0 : i64, scratch_operands = 7 : i64, tpu.core_type = #tpu.core_type<sc_vector_subcore>, window_params = [{transform_indices = #map}, {transform_indices = #map1}, {transform_indices = #map}]} {
    %mul3A = arith.constant 2 : i32
    %mul3A_0 = arith.muli %arg1, %mul3A : i32
    %add3A = arith.addi %mul3A_0, %arg0 : i32
    %mul3A_1 = arith.constant 10000 : i32
    %mul3A_2 = arith.muli %add3A, %mul3A_1 : i32
    %mul3A_3 = arith.constant 624 : i32
    %mul3A_4 = arith.muli %arg1, %mul3A_3 : i32
    %mul3A_5 = arith.constant 624 : i32
    %mul3A_6 = arith.muli %arg1, %mul3A_5 : i32
    %dma_start3A = arith.constant 0 : i32
    %dma_start3A_7 = tpu.memref_slice %arg5[%mul3A_6, %dma_start3A] : memref<10000x128xf32, #tpu.memory_space<vmem_shared>> -> memref<624x128xf32, #tpu.memory_space<vmem_shared>>
    %dma_start3A_8 = arith.constant 0 : i32
    %dma_start3A_9 = tpu.memref_slice %arg2[%mul3A_4, %dma_start3A_8] : memref<10000x128xf32, #tpu.memory_space<hbm>> -> memref<624x128xf32, #tpu.memory_space<hbm>>
    tpu.enqueue_dma source(%dma_start3A_9 : memref<624x128xf32, #tpu.memory_space<hbm>>) target(%dma_start3A_7 : memref<624x128xf32, #tpu.memory_space<vmem_shared>>) target_semaphore(%arg9 : memref<!tpu.dma_semaphore, #tpu.memory_space<semaphore_mem>>)
    %dma_start3A_10 = tpu.memref_slice %arg3[%mul3A_2] : memref<320000xi32, #tpu.memory_space<hbm>> -> memref<10000xi32, #tpu.memory_space<hbm>>
    %dma_start3A_11 = tpu.memref_slice %arg3[%mul3A_2] : memref<320000xi32, #tpu.memory_space<hbm>> -> memref<10000xi32, #tpu.memory_space<hbm>>
    tpu.enqueue_dma source(%dma_start3A_11 : memref<10000xi32, #tpu.memory_space<hbm>>) target(%arg6 : memref<10000xi32, #tpu.memory_space<vmem>>) target_semaphore(%arg10 : memref<!tpu.dma_semaphore, #tpu.memory_space<semaphore_mem>>)
    %eq3A = arith.constant 0 : i32
    %eq3A_12 = arith.cmpi eq, %arg1, %eq3A : i32
    %convert_element_type3A = arith.extui %eq3A_12 : i1 to i32
    %cond3A = arith.constant 0 : i32
    %cond3A_13 = arith.cmpi ne, %convert_element_type3A, %cond3A : i32
    scf.if %cond3A_13 {
      %dma_start3A_272 = arith.constant 9984 : i32
      %dma_start3A_273 = arith.constant 0 : i32
      %dma_start3A_274 = tpu.memref_slice %arg5[%dma_start3A_272, %dma_start3A_273] : memref<10000x128xf32, #tpu.memory_space<vmem_shared>> -> memref<16x128xf32, #tpu.memory_space<vmem_shared>>
      %dma_start3A_275 = arith.constant 9984 : i32
      %dma_start3A_276 = arith.constant 0 : i32
      %dma_start3A_277 = tpu.memref_slice %arg2[%dma_start3A_275, %dma_start3A_276] : memref<10000x128xf32, #tpu.memory_space<hbm>> -> memref<16x128xf32, #tpu.memory_space<hbm>>
      tpu.enqueue_dma source(%dma_start3A_277 : memref<16x128xf32, #tpu.memory_space<hbm>>) target(%dma_start3A_274 : memref<16x128xf32, #tpu.memory_space<vmem_shared>>) target_semaphore(%arg11 : memref<!tpu.dma_semaphore, #tpu.memory_space<semaphore_mem>>)
    } else {
    }
    %dma_wait3A = tpu.memref_slice %arg3[%mul3A_2] : memref<320000xi32, #tpu.memory_space<hbm>> -> memref<10000xi32, #tpu.memory_space<hbm>>
    %dma_wait3A_14 = tpu.memref_slice %arg3[%mul3A_2] : memref<320000xi32, #tpu.memory_space<hbm>> -> memref<10000xi32, #tpu.memory_space<hbm>>
    tpu.wait_dma2 semaphore(%arg10 : memref<!tpu.dma_semaphore, #tpu.memory_space<semaphore_mem>>) src(%dma_wait3A_14 : memref<10000xi32, #tpu.memory_space<hbm>>) dst(%arg6 : memref<10000xi32, #tpu.memory_space<vmem>>)
    %dma_start3A_15 = arith.constant 0 : i32
    %dma_start3A_16 = arith.constant 0 : i32
    %dma_start3A_17 = arith.constant 0 : i32
    %dma_start3A_18 = arith.constant 0 : i32
    %dma_start3A_19 = tpu.memref_slice %arg7[%dma_start3A_15, %dma_start3A_17, %dma_start3A_18] : memref<3x104x128xf32, #tpu.memory_space<vmem>> -> memref<1x104x128xf32, #tpu.memory_space<vmem>>
    %dma_start3A_20 = tpu.memref_squeeze %dma_start3A_19 : memref<1x104x128xf32, #tpu.memory_space<vmem>> -> memref<104x128xf32, #tpu.memory_space<vmem>>
    %dma_start3A_21 = arith.constant 0 : i32
    %dma_start3A_22 = arith.constant 0 : i32
    %dma_start3A_23 = tpu.memref_slice %dma_start3A_20[%dma_start3A_21, %dma_start3A_22] : memref<104x128xf32, #tpu.memory_space<vmem>> -> memref<104x128xf32, #tpu.memory_space<vmem>>
    %dma_start3A_24 = arith.constant 0 : i32
    %dma_start3A_25 = tpu.memref_slice %arg6[%dma_start3A_24] : memref<10000xi32, #tpu.memory_space<vmem>> -> memref<104xi32, #tpu.memory_space<vmem>>
    %dma_start3A_26 = arith.constant 0 : i32
    %dma_start3A_27 = arith.constant 0 : i32
    %dma_start3A_28 = tpu.memref_slice %arg2[%dma_start3A_26, %dma_start3A_27] : memref<10000x128xf32, #tpu.memory_space<hbm>> -> memref<10000x128xf32, #tpu.memory_space<hbm>>
    %dma_start3A_29 = tpu.memref_slice %arg8[%dma_start3A_16] : memref<3x!tpu.dma_semaphore, #tpu.memory_space<semaphore_mem>> -> memref<1x!tpu.dma_semaphore, #tpu.memory_space<semaphore_mem>>
    %dma_start3A_30 = tpu.memref_squeeze %dma_start3A_29 : memref<1x!tpu.dma_semaphore, #tpu.memory_space<semaphore_mem>> -> memref<!tpu.dma_semaphore, #tpu.memory_space<semaphore_mem>>
    tpu.enqueue_indirect_dma source(%dma_start3A_28 : memref<10000x128xf32, #tpu.memory_space<hbm>>) target(%dma_start3A_23 : memref<104x128xf32, #tpu.memory_space<vmem>>) offsets(%dma_start3A_25 : memref<104xi32, #tpu.memory_space<vmem>>) semaphore(%dma_start3A_30 : memref<!tpu.dma_semaphore, #tpu.memory_space<semaphore_mem>>)
    %dma_start3A_31 = arith.constant 1 : i32
    %dma_start3A_32 = arith.constant 1 : i32
    %dma_start3A_33 = arith.constant 0 : i32
    %dma_start3A_34 = arith.constant 0 : i32
    %dma_start3A_35 = tpu.memref_slice %arg7[%dma_start3A_31, %dma_start3A_33, %dma_start3A_34] : memref<3x104x128xf32, #tpu.memory_space<vmem>> -> memref<1x104x128xf32, #tpu.memory_space<vmem>>
    %dma_start3A_36 = tpu.memref_squeeze %dma_start3A_35 : memref<1x104x128xf32, #tpu.memory_space<vmem>> -> memref<104x128xf32, #tpu.memory_space<vmem>>
    %dma_start3A_37 = arith.constant 0 : i32
    %dma_start3A_38 = arith.constant 0 : i32
    %dma_start3A_39 = tpu.memref_slice %dma_start3A_36[%dma_start3A_37, %dma_start3A_38] : memref<104x128xf32, #tpu.memory_space<vmem>> -> memref<104x128xf32, #tpu.memory_space<vmem>>
    %dma_start3A_40 = arith.constant 104 : i32
    %dma_start3A_41 = tpu.memref_slice %arg6[%dma_start3A_40] : memref<10000xi32, #tpu.memory_space<vmem>> -> memref<104xi32, #tpu.memory_space<vmem>>
    %dma_start3A_42 = arith.constant 0 : i32
    %dma_start3A_43 = arith.constant 0 : i32
    %dma_start3A_44 = tpu.memref_slice %arg2[%dma_start3A_42, %dma_start3A_43] : memref<10000x128xf32, #tpu.memory_space<hbm>> -> memref<10000x128xf32, #tpu.memory_space<hbm>>
    %dma_start3A_45 = tpu.memref_slice %arg8[%dma_start3A_32] : memref<3x!tpu.dma_semaphore, #tpu.memory_space<semaphore_mem>> -> memref<1x!tpu.dma_semaphore, #tpu.memory_space<semaphore_mem>>
    %dma_start3A_46 = tpu.memref_squeeze %dma_start3A_45 : memref<1x!tpu.dma_semaphore, #tpu.memory_space<semaphore_mem>> -> memref<!tpu.dma_semaphore, #tpu.memory_space<semaphore_mem>>
    tpu.enqueue_indirect_dma source(%dma_start3A_44 : memref<10000x128xf32, #tpu.memory_space<hbm>>) target(%dma_start3A_39 : memref<104x128xf32, #tpu.memory_space<vmem>>) offsets(%dma_start3A_41 : memref<104xi32, #tpu.memory_space<vmem>>) semaphore(%dma_start3A_46 : memref<!tpu.dma_semaphore, #tpu.memory_space<semaphore_mem>>)
    %dma_start3A_47 = arith.constant 2 : i32
    %dma_start3A_48 = arith.constant 2 : i32
    %dma_start3A_49 = arith.constant 0 : i32
    %dma_start3A_50 = arith.constant 0 : i32
    %dma_start3A_51 = tpu.memref_slice %arg7[%dma_start3A_47, %dma_start3A_49, %dma_start3A_50] : memref<3x104x128xf32, #tpu.memory_space<vmem>> -> memref<1x104x128xf32, #tpu.memory_space<vmem>>
    %dma_start3A_52 = tpu.memref_squeeze %dma_start3A_51 : memref<1x104x128xf32, #tpu.memory_space<vmem>> -> memref<104x128xf32, #tpu.memory_space<vmem>>
    %dma_start3A_53 = arith.constant 0 : i32
    %dma_start3A_54 = arith.constant 0 : i32
    %dma_start3A_55 = tpu.memref_slice %dma_start3A_52[%dma_start3A_53, %dma_start3A_54] : memref<104x128xf32, #tpu.memory_space<vmem>> -> memref<104x128xf32, #tpu.memory_space<vmem>>
    %dma_start3A_56 = arith.constant 208 : i32
    %dma_start3A_57 = tpu.memref_slice %arg6[%dma_start3A_56] : memref<10000xi32, #tpu.memory_space<vmem>> -> memref<104xi32, #tpu.memory_space<vmem>>
    %dma_start3A_58 = arith.constant 0 : i32
    %dma_start3A_59 = arith.constant 0 : i32
    %dma_start3A_60 = tpu.memref_slice %arg2[%dma_start3A_58, %dma_start3A_59] : memref<10000x128xf32, #tpu.memory_space<hbm>> -> memref<10000x128xf32, #tpu.memory_space<hbm>>
    %dma_start3A_61 = tpu.memref_slice %arg8[%dma_start3A_48] : memref<3x!tpu.dma_semaphore, #tpu.memory_space<semaphore_mem>> -> memref<1x!tpu.dma_semaphore, #tpu.memory_space<semaphore_mem>>
    %dma_start3A_62 = tpu.memref_squeeze %dma_start3A_61 : memref<1x!tpu.dma_semaphore, #tpu.memory_space<semaphore_mem>> -> memref<!tpu.dma_semaphore, #tpu.memory_space<semaphore_mem>>
    tpu.enqueue_indirect_dma source(%dma_start3A_60 : memref<10000x128xf32, #tpu.memory_space<hbm>>) target(%dma_start3A_55 : memref<104x128xf32, #tpu.memory_space<vmem>>) offsets(%dma_start3A_57 : memref<104xi32, #tpu.memory_space<vmem>>) semaphore(%dma_start3A_62 : memref<!tpu.dma_semaphore, #tpu.memory_space<semaphore_mem>>)
    %dma_wait3A_63 = arith.constant 0 : i32
    %dma_wait3A_64 = tpu.memref_slice %arg5[%mul3A_6, %dma_wait3A_63] : memref<10000x128xf32, #tpu.memory_space<vmem_shared>> -> memref<624x128xf32, #tpu.memory_space<vmem_shared>>
    %dma_wait3A_65 = arith.constant 0 : i32
    %dma_wait3A_66 = tpu.memref_slice %arg2[%mul3A_4, %dma_wait3A_65] : memref<10000x128xf32, #tpu.memory_space<hbm>> -> memref<624x128xf32, #tpu.memory_space<hbm>>
    tpu.wait_dma2 semaphore(%arg9 : memref<!tpu.dma_semaphore, #tpu.memory_space<semaphore_mem>>) src(%dma_wait3A_66 : memref<624x128xf32, #tpu.memory_space<hbm>>) dst(%dma_wait3A_64 : memref<624x128xf32, #tpu.memory_space<vmem_shared>>)
    %eq3A_67 = arith.constant 0 : i32
    %eq3A_68 = arith.cmpi eq, %arg1, %eq3A_67 : i32
    %convert_element_type3A_69 = arith.extui %eq3A_68 : i1 to i32
    %cond3A_70 = arith.constant 0 : i32
    %cond3A_71 = arith.cmpi ne, %convert_element_type3A_69, %cond3A_70 : i32
    scf.if %cond3A_71 {
      %dma_wait3A_272 = arith.constant 9984 : i32
      %dma_wait3A_273 = arith.constant 0 : i32
      %dma_wait3A_274 = tpu.memref_slice %arg5[%dma_wait3A_272, %dma_wait3A_273] : memref<10000x128xf32, #tpu.memory_space<vmem_shared>> -> memref<16x128xf32, #tpu.memory_space<vmem_shared>>
      %dma_wait3A_275 = arith.constant 9984 : i32
      %dma_wait3A_276 = arith.constant 0 : i32
      %dma_wait3A_277 = tpu.memref_slice %arg2[%dma_wait3A_275, %dma_wait3A_276] : memref<10000x128xf32, #tpu.memory_space<hbm>> -> memref<16x128xf32, #tpu.memory_space<hbm>>
      tpu.wait_dma2 semaphore(%arg11 : memref<!tpu.dma_semaphore, #tpu.memory_space<semaphore_mem>>) src(%dma_wait3A_277 : memref<16x128xf32, #tpu.memory_space<hbm>>) dst(%dma_wait3A_274 : memref<16x128xf32, #tpu.memory_space<vmem_shared>>)
    } else {
    }
    %barrier3A = arith.constant 0 : index
    tpu.barrier barrier_id(%barrier3A)
    %dma_wait3A_72 = arith.constant 0 : i32
    %dma_wait3A_73 = arith.constant 0 : i32
    %dma_wait3A_74 = arith.constant 0 : i32
    %dma_wait3A_75 = arith.constant 0 : i32
    %dma_wait3A_76 = tpu.memref_slice %arg7[%dma_wait3A_72, %dma_wait3A_74, %dma_wait3A_75] : memref<3x104x128xf32, #tpu.memory_space<vmem>> -> memref<1x104x128xf32, #tpu.memory_space<vmem>>
    %dma_wait3A_77 = tpu.memref_squeeze %dma_wait3A_76 : memref<1x104x128xf32, #tpu.memory_space<vmem>> -> memref<104x128xf32, #tpu.memory_space<vmem>>
    %dma_wait3A_78 = arith.constant 0 : i32
    %dma_wait3A_79 = arith.constant 0 : i32
    %dma_wait3A_80 = tpu.memref_slice %dma_wait3A_77[%dma_wait3A_78, %dma_wait3A_79] : memref<104x128xf32, #tpu.memory_space<vmem>> -> memref<104x128xf32, #tpu.memory_space<vmem>>
    %dma_wait3A_81 = arith.constant 0 : i32
    %dma_wait3A_82 = tpu.memref_slice %arg6[%dma_wait3A_81] : memref<10000xi32, #tpu.memory_space<vmem>> -> memref<104xi32, #tpu.memory_space<vmem>>
    %dma_wait3A_83 = arith.constant 0 : i32
    %dma_wait3A_84 = arith.constant 0 : i32
    %dma_wait3A_85 = tpu.memref_slice %arg2[%dma_wait3A_83, %dma_wait3A_84] : memref<10000x128xf32, #tpu.memory_space<hbm>> -> memref<10000x128xf32, #tpu.memory_space<hbm>>
    %dma_wait3A_86 = tpu.memref_slice %arg8[%dma_wait3A_73] : memref<3x!tpu.dma_semaphore, #tpu.memory_space<semaphore_mem>> -> memref<1x!tpu.dma_semaphore, #tpu.memory_space<semaphore_mem>>
    %dma_wait3A_87 = tpu.memref_squeeze %dma_wait3A_86 : memref<1x!tpu.dma_semaphore, #tpu.memory_space<semaphore_mem>> -> memref<!tpu.dma_semaphore, #tpu.memory_space<semaphore_mem>>
    tpu.wait_indirect_dma semaphore(%dma_wait3A_87 : memref<!tpu.dma_semaphore, #tpu.memory_space<semaphore_mem>>) src(%dma_wait3A_85 : memref<10000x128xf32, #tpu.memory_space<hbm>>) dst(%dma_wait3A_80 : memref<104x128xf32, #tpu.memory_space<vmem>>)
    %add3A_88 = arith.constant 0 : i32
    %add3A_89 = arith.addi %mul3A_2, %add3A_88 : i32
    %run_scoped3A = arith.constant 0 : i32
    "tpu.region"() ({
      %run_scoped3A_272 = tpu.sem_alloc : memref<!tpu.dma_semaphore, #tpu.memory_space<semaphore_mem>>
      %dma_start3A_273 = arith.constant 0 : i32
      %dma_start3A_274 = arith.constant 0 : i32
      %dma_start3A_275 = tpu.memref_slice %arg7[%run_scoped3A, %dma_start3A_273, %dma_start3A_274] : memref<3x104x128xf32, #tpu.memory_space<vmem>> -> memref<1x104x128xf32, #tpu.memory_space<vmem>>
      %dma_start3A_276 = tpu.memref_squeeze %dma_start3A_275 : memref<1x104x128xf32, #tpu.memory_space<vmem>> -> memref<104x128xf32, #tpu.memory_space<vmem>>
      %dma_start3A_277 = arith.constant 0 : i32
      %dma_start3A_278 = arith.constant 0 : i32
      %dma_start3A_279 = tpu.memref_slice %dma_start3A_276[%dma_start3A_277, %dma_start3A_278] : memref<104x128xf32, #tpu.memory_space<vmem>> -> memref<104x128xf32, #tpu.memory_space<vmem>>
      %dma_start3A_280 = arith.constant 0 : i32
      %dma_start3A_281 = tpu.memref_slice %arg4[%add3A_89, %dma_start3A_280] : memref<320000x128xf32, #tpu.memory_space<hbm>> -> memref<104x128xf32, #tpu.memory_space<hbm>>
      %dma_start3A_282 = arith.constant 0 : i32
      %dma_start3A_283 = tpu.memref_slice %arg4[%add3A_89, %dma_start3A_282] : memref<320000x128xf32, #tpu.memory_space<hbm>> -> memref<104x128xf32, #tpu.memory_space<hbm>>
      %dma_start3A_284 = arith.constant 0 : i32
      %dma_start3A_285 = arith.constant 0 : i32
      %dma_start3A_286 = tpu.memref_slice %arg7[%run_scoped3A, %dma_start3A_284, %dma_start3A_285] : memref<3x104x128xf32, #tpu.memory_space<vmem>> -> memref<1x104x128xf32, #tpu.memory_space<vmem>>
      %dma_start3A_287 = tpu.memref_squeeze %dma_start3A_286 : memref<1x104x128xf32, #tpu.memory_space<vmem>> -> memref<104x128xf32, #tpu.memory_space<vmem>>
      %dma_start3A_288 = arith.constant 0 : i32
      %dma_start3A_289 = arith.constant 0 : i32
      %dma_start3A_290 = tpu.memref_slice %dma_start3A_287[%dma_start3A_288, %dma_start3A_289] : memref<104x128xf32, #tpu.memory_space<vmem>> -> memref<104x128xf32, #tpu.memory_space<vmem>>
      tpu.enqueue_dma source(%dma_start3A_290 : memref<104x128xf32, #tpu.memory_space<vmem>>) target(%dma_start3A_283 : memref<104x128xf32, #tpu.memory_space<hbm>>) target_semaphore(%run_scoped3A_272 : memref<!tpu.dma_semaphore, #tpu.memory_space<semaphore_mem>>)
      %dma_wait3A_291 = arith.constant 0 : i32
      %dma_wait3A_292 = arith.constant 0 : i32
      %dma_wait3A_293 = tpu.memref_slice %arg7[%run_scoped3A, %dma_wait3A_291, %dma_wait3A_292] : memref<3x104x128xf32, #tpu.memory_space<vmem>> -> memref<1x104x128xf32, #tpu.memory_space<vmem>>
      %dma_wait3A_294 = tpu.memref_squeeze %dma_wait3A_293 : memref<1x104x128xf32, #tpu.memory_space<vmem>> -> memref<104x128xf32, #tpu.memory_space<vmem>>
      %dma_wait3A_295 = arith.constant 0 : i32
      %dma_wait3A_296 = arith.constant 0 : i32
      %dma_wait3A_297 = tpu.memref_slice %dma_wait3A_294[%dma_wait3A_295, %dma_wait3A_296] : memref<104x128xf32, #tpu.memory_space<vmem>> -> memref<104x128xf32, #tpu.memory_space<vmem>>
      %dma_wait3A_298 = arith.constant 0 : i32
      %dma_wait3A_299 = tpu.memref_slice %arg4[%add3A_89, %dma_wait3A_298] : memref<320000x128xf32, #tpu.memory_space<hbm>> -> memref<104x128xf32, #tpu.memory_space<hbm>>
      %dma_wait3A_300 = arith.constant 0 : i32
      %dma_wait3A_301 = tpu.memref_slice %arg4[%add3A_89, %dma_wait3A_300] : memref<320000x128xf32, #tpu.memory_space<hbm>> -> memref<104x128xf32, #tpu.memory_space<hbm>>
      %dma_wait3A_302 = arith.constant 0 : i32
      %dma_wait3A_303 = arith.constant 0 : i32
      %dma_wait3A_304 = tpu.memref_slice %arg7[%run_scoped3A, %dma_wait3A_302, %dma_wait3A_303] : memref<3x104x128xf32, #tpu.memory_space<vmem>> -> memref<1x104x128xf32, #tpu.memory_space<vmem>>
      %dma_wait3A_305 = tpu.memref_squeeze %dma_wait3A_304 : memref<1x104x128xf32, #tpu.memory_space<vmem>> -> memref<104x128xf32, #tpu.memory_space<vmem>>
      %dma_wait3A_306 = arith.constant 0 : i32
      %dma_wait3A_307 = arith.constant 0 : i32
      %dma_wait3A_308 = tpu.memref_slice %dma_wait3A_305[%dma_wait3A_306, %dma_wait3A_307] : memref<104x128xf32, #tpu.memory_space<vmem>> -> memref<104x128xf32, #tpu.memory_space<vmem>>
      tpu.wait_dma2 semaphore(%run_scoped3A_272 : memref<!tpu.dma_semaphore, #tpu.memory_space<semaphore_mem>>) src(%dma_wait3A_308 : memref<104x128xf32, #tpu.memory_space<vmem>>) dst(%dma_wait3A_301 : memref<104x128xf32, #tpu.memory_space<hbm>>)
      tpu.yield
    }) : () -> ()
    %dma_start3A_90 = arith.constant 0 : i32
    %dma_start3A_91 = arith.constant 0 : i32
    %dma_start3A_92 = arith.constant 0 : i32
    %dma_start3A_93 = arith.constant 0 : i32
    %dma_start3A_94 = tpu.memref_slice %arg7[%dma_start3A_90, %dma_start3A_92, %dma_start3A_93] : memref<3x104x128xf32, #tpu.memory_space<vmem>> -> memref<1x104x128xf32, #tpu.memory_space<vmem>>
    %dma_start3A_95 = tpu.memref_squeeze %dma_start3A_94 : memref<1x104x128xf32, #tpu.memory_space<vmem>> -> memref<104x128xf32, #tpu.memory_space<vmem>>
    %dma_start3A_96 = arith.constant 0 : i32
    %dma_start3A_97 = arith.constant 0 : i32
    %dma_start3A_98 = tpu.memref_slice %dma_start3A_95[%dma_start3A_96, %dma_start3A_97] : memref<104x128xf32, #tpu.memory_space<vmem>> -> memref<104x128xf32, #tpu.memory_space<vmem>>
    %dma_start3A_99 = arith.constant 312 : i32
    %dma_start3A_100 = tpu.memref_slice %arg6[%dma_start3A_99] : memref<10000xi32, #tpu.memory_space<vmem>> -> memref<104xi32, #tpu.memory_space<vmem>>
    %dma_start3A_101 = arith.constant 0 : i32
    %dma_start3A_102 = arith.constant 0 : i32
    %dma_start3A_103 = tpu.memref_slice %arg5[%dma_start3A_101, %dma_start3A_102] : memref<10000x128xf32, #tpu.memory_space<vmem_shared>> -> memref<10000x128xf32, #tpu.memory_space<vmem_shared>>
    %dma_start3A_104 = tpu.memref_slice %arg8[%dma_start3A_91] : memref<3x!tpu.dma_semaphore, #tpu.memory_space<semaphore_mem>> -> memref<1x!tpu.dma_semaphore, #tpu.memory_space<semaphore_mem>>
    %dma_start3A_105 = tpu.memref_squeeze %dma_start3A_104 : memref<1x!tpu.dma_semaphore, #tpu.memory_space<semaphore_mem>> -> memref<!tpu.dma_semaphore, #tpu.memory_space<semaphore_mem>>
    tpu.enqueue_indirect_dma source(%dma_start3A_103 : memref<10000x128xf32, #tpu.memory_space<vmem_shared>>) target(%dma_start3A_98 : memref<104x128xf32, #tpu.memory_space<vmem>>) offsets(%dma_start3A_100 : memref<104xi32, #tpu.memory_space<vmem>>) semaphore(%dma_start3A_105 : memref<!tpu.dma_semaphore, #tpu.memory_space<semaphore_mem>>)
    %dma_wait3A_106 = arith.constant 1 : i32
    %dma_wait3A_107 = arith.constant 1 : i32
    %dma_wait3A_108 = arith.constant 0 : i32
    %dma_wait3A_109 = arith.constant 0 : i32
    %dma_wait3A_110 = tpu.memref_slice %arg7[%dma_wait3A_106, %dma_wait3A_108, %dma_wait3A_109] : memref<3x104x128xf32, #tpu.memory_space<vmem>> -> memref<1x104x128xf32, #tpu.memory_space<vmem>>
    %dma_wait3A_111 = tpu.memref_squeeze %dma_wait3A_110 : memref<1x104x128xf32, #tpu.memory_space<vmem>> -> memref<104x128xf32, #tpu.memory_space<vmem>>
    %dma_wait3A_112 = arith.constant 0 : i32
    %dma_wait3A_113 = arith.constant 0 : i32
    %dma_wait3A_114 = tpu.memref_slice %dma_wait3A_111[%dma_wait3A_112, %dma_wait3A_113] : memref<104x128xf32, #tpu.memory_space<vmem>> -> memref<104x128xf32, #tpu.memory_space<vmem>>
    %dma_wait3A_115 = arith.constant 104 : i32
    %dma_wait3A_116 = tpu.memref_slice %arg6[%dma_wait3A_115] : memref<10000xi32, #tpu.memory_space<vmem>> -> memref<104xi32, #tpu.memory_space<vmem>>
    %dma_wait3A_117 = arith.constant 0 : i32
    %dma_wait3A_118 = arith.constant 0 : i32
    %dma_wait3A_119 = tpu.memref_slice %arg2[%dma_wait3A_117, %dma_wait3A_118] : memref<10000x128xf32, #tpu.memory_space<hbm>> -> memref<10000x128xf32, #tpu.memory_space<hbm>>
    %dma_wait3A_120 = tpu.memref_slice %arg8[%dma_wait3A_107] : memref<3x!tpu.dma_semaphore, #tpu.memory_space<semaphore_mem>> -> memref<1x!tpu.dma_semaphore, #tpu.memory_space<semaphore_mem>>
    %dma_wait3A_121 = tpu.memref_squeeze %dma_wait3A_120 : memref<1x!tpu.dma_semaphore, #tpu.memory_space<semaphore_mem>> -> memref<!tpu.dma_semaphore, #tpu.memory_space<semaphore_mem>>
    tpu.wait_indirect_dma semaphore(%dma_wait3A_121 : memref<!tpu.dma_semaphore, #tpu.memory_space<semaphore_mem>>) src(%dma_wait3A_119 : memref<10000x128xf32, #tpu.memory_space<hbm>>) dst(%dma_wait3A_114 : memref<104x128xf32, #tpu.memory_space<vmem>>)
    %add3A_122 = arith.constant 104 : i32
    %add3A_123 = arith.addi %mul3A_2, %add3A_122 : i32
    %run_scoped3A_124 = arith.constant 1 : i32
    "tpu.region"() ({
      %run_scoped3A_272 = tpu.sem_alloc : memref<!tpu.dma_semaphore, #tpu.memory_space<semaphore_mem>>
      %dma_start3A_273 = arith.constant 0 : i32
      %dma_start3A_274 = arith.constant 0 : i32
      %dma_start3A_275 = tpu.memref_slice %arg7[%run_scoped3A_124, %dma_start3A_273, %dma_start3A_274] : memref<3x104x128xf32, #tpu.memory_space<vmem>> -> memref<1x104x128xf32, #tpu.memory_space<vmem>>
      %dma_start3A_276 = tpu.memref_squeeze %dma_start3A_275 : memref<1x104x128xf32, #tpu.memory_space<vmem>> -> memref<104x128xf32, #tpu.memory_space<vmem>>
      %dma_start3A_277 = arith.constant 0 : i32
      %dma_start3A_278 = arith.constant 0 : i32
      %dma_start3A_279 = tpu.memref_slice %dma_start3A_276[%dma_start3A_277, %dma_start3A_278] : memref<104x128xf32, #tpu.memory_space<vmem>> -> memref<104x128xf32, #tpu.memory_space<vmem>>
      %dma_start3A_280 = arith.constant 0 : i32
      %dma_start3A_281 = tpu.memref_slice %arg4[%add3A_123, %dma_start3A_280] : memref<320000x128xf32, #tpu.memory_space<hbm>> -> memref<104x128xf32, #tpu.memory_space<hbm>>
      %dma_start3A_282 = arith.constant 0 : i32
      %dma_start3A_283 = tpu.memref_slice %arg4[%add3A_123, %dma_start3A_282] : memref<320000x128xf32, #tpu.memory_space<hbm>> -> memref<104x128xf32, #tpu.memory_space<hbm>>
      %dma_start3A_284 = arith.constant 0 : i32
      %dma_start3A_285 = arith.constant 0 : i32
      %dma_start3A_286 = tpu.memref_slice %arg7[%run_scoped3A_124, %dma_start3A_284, %dma_start3A_285] : memref<3x104x128xf32, #tpu.memory_space<vmem>> -> memref<1x104x128xf32, #tpu.memory_space<vmem>>
      %dma_start3A_287 = tpu.memref_squeeze %dma_start3A_286 : memref<1x104x128xf32, #tpu.memory_space<vmem>> -> memref<104x128xf32, #tpu.memory_space<vmem>>
      %dma_start3A_288 = arith.constant 0 : i32
      %dma_start3A_289 = arith.constant 0 : i32
      %dma_start3A_290 = tpu.memref_slice %dma_start3A_287[%dma_start3A_288, %dma_start3A_289] : memref<104x128xf32, #tpu.memory_space<vmem>> -> memref<104x128xf32, #tpu.memory_space<vmem>>
      tpu.enqueue_dma source(%dma_start3A_290 : memref<104x128xf32, #tpu.memory_space<vmem>>) target(%dma_start3A_283 : memref<104x128xf32, #tpu.memory_space<hbm>>) target_semaphore(%run_scoped3A_272 : memref<!tpu.dma_semaphore, #tpu.memory_space<semaphore_mem>>)
      %dma_wait3A_291 = arith.constant 0 : i32
      %dma_wait3A_292 = arith.constant 0 : i32
      %dma_wait3A_293 = tpu.memref_slice %arg7[%run_scoped3A_124, %dma_wait3A_291, %dma_wait3A_292] : memref<3x104x128xf32, #tpu.memory_space<vmem>> -> memref<1x104x128xf32, #tpu.memory_space<vmem>>
      %dma_wait3A_294 = tpu.memref_squeeze %dma_wait3A_293 : memref<1x104x128xf32, #tpu.memory_space<vmem>> -> memref<104x128xf32, #tpu.memory_space<vmem>>
      %dma_wait3A_295 = arith.constant 0 : i32
      %dma_wait3A_296 = arith.constant 0 : i32
      %dma_wait3A_297 = tpu.memref_slice %dma_wait3A_294[%dma_wait3A_295, %dma_wait3A_296] : memref<104x128xf32, #tpu.memory_space<vmem>> -> memref<104x128xf32, #tpu.memory_space<vmem>>
      %dma_wait3A_298 = arith.constant 0 : i32
      %dma_wait3A_299 = tpu.memref_slice %arg4[%add3A_123, %dma_wait3A_298] : memref<320000x128xf32, #tpu.memory_space<hbm>> -> memref<104x128xf32, #tpu.memory_space<hbm>>
      %dma_wait3A_300 = arith.constant 0 : i32
      %dma_wait3A_301 = tpu.memref_slice %arg4[%add3A_123, %dma_wait3A_300] : memref<320000x128xf32, #tpu.memory_space<hbm>> -> memref<104x128xf32, #tpu.memory_space<hbm>>
      %dma_wait3A_302 = arith.constant 0 : i32
      %dma_wait3A_303 = arith.constant 0 : i32
      %dma_wait3A_304 = tpu.memref_slice %arg7[%run_scoped3A_124, %dma_wait3A_302, %dma_wait3A_303] : memref<3x104x128xf32, #tpu.memory_space<vmem>> -> memref<1x104x128xf32, #tpu.memory_space<vmem>>
      %dma_wait3A_305 = tpu.memref_squeeze %dma_wait3A_304 : memref<1x104x128xf32, #tpu.memory_space<vmem>> -> memref<104x128xf32, #tpu.memory_space<vmem>>
      %dma_wait3A_306 = arith.constant 0 : i32
      %dma_wait3A_307 = arith.constant 0 : i32
      %dma_wait3A_308 = tpu.memref_slice %dma_wait3A_305[%dma_wait3A_306, %dma_wait3A_307] : memref<104x128xf32, #tpu.memory_space<vmem>> -> memref<104x128xf32, #tpu.memory_space<vmem>>
      tpu.wait_dma2 semaphore(%run_scoped3A_272 : memref<!tpu.dma_semaphore, #tpu.memory_space<semaphore_mem>>) src(%dma_wait3A_308 : memref<104x128xf32, #tpu.memory_space<vmem>>) dst(%dma_wait3A_301 : memref<104x128xf32, #tpu.memory_space<hbm>>)
      tpu.yield
    }) : () -> ()
    %dma_start3A_125 = arith.constant 1 : i32
    %dma_start3A_126 = arith.constant 1 : i32
    %dma_start3A_127 = arith.constant 0 : i32
    %dma_start3A_128 = arith.constant 0 : i32
    %dma_start3A_129 = tpu.memref_slice %arg7[%dma_start3A_125, %dma_start3A_127, %dma_start3A_128] : memref<3x104x128xf32, #tpu.memory_space<vmem>> -> memref<1x104x128xf32, #tpu.memory_space<vmem>>
    %dma_start3A_130 = tpu.memref_squeeze %dma_start3A_129 : memref<1x104x128xf32, #tpu.memory_space<vmem>> -> memref<104x128xf32, #tpu.memory_space<vmem>>
    %dma_start3A_131 = arith.constant 0 : i32
    %dma_start3A_132 = arith.constant 0 : i32
    %dma_start3A_133 = tpu.memref_slice %dma_start3A_130[%dma_start3A_131, %dma_start3A_132] : memref<104x128xf32, #tpu.memory_space<vmem>> -> memref<104x128xf32, #tpu.memory_space<vmem>>
    %dma_start3A_134 = arith.constant 416 : i32
    %dma_start3A_135 = tpu.memref_slice %arg6[%dma_start3A_134] : memref<10000xi32, #tpu.memory_space<vmem>> -> memref<104xi32, #tpu.memory_space<vmem>>
    %dma_start3A_136 = arith.constant 0 : i32
    %dma_start3A_137 = arith.constant 0 : i32
    %dma_start3A_138 = tpu.memref_slice %arg5[%dma_start3A_136, %dma_start3A_137] : memref<10000x128xf32, #tpu.memory_space<vmem_shared>> -> memref<10000x128xf32, #tpu.memory_space<vmem_shared>>
    %dma_start3A_139 = tpu.memref_slice %arg8[%dma_start3A_126] : memref<3x!tpu.dma_semaphore, #tpu.memory_space<semaphore_mem>> -> memref<1x!tpu.dma_semaphore, #tpu.memory_space<semaphore_mem>>
    %dma_start3A_140 = tpu.memref_squeeze %dma_start3A_139 : memref<1x!tpu.dma_semaphore, #tpu.memory_space<semaphore_mem>> -> memref<!tpu.dma_semaphore, #tpu.memory_space<semaphore_mem>>
    tpu.enqueue_indirect_dma source(%dma_start3A_138 : memref<10000x128xf32, #tpu.memory_space<vmem_shared>>) target(%dma_start3A_133 : memref<104x128xf32, #tpu.memory_space<vmem>>) offsets(%dma_start3A_135 : memref<104xi32, #tpu.memory_space<vmem>>) semaphore(%dma_start3A_140 : memref<!tpu.dma_semaphore, #tpu.memory_space<semaphore_mem>>)
    %dma_wait3A_141 = arith.constant 2 : i32
    %dma_wait3A_142 = arith.constant 2 : i32
    %dma_wait3A_143 = arith.constant 0 : i32
    %dma_wait3A_144 = arith.constant 0 : i32
    %dma_wait3A_145 = tpu.memref_slice %arg7[%dma_wait3A_141, %dma_wait3A_143, %dma_wait3A_144] : memref<3x104x128xf32, #tpu.memory_space<vmem>> -> memref<1x104x128xf32, #tpu.memory_space<vmem>>
    %dma_wait3A_146 = tpu.memref_squeeze %dma_wait3A_145 : memref<1x104x128xf32, #tpu.memory_space<vmem>> -> memref<104x128xf32, #tpu.memory_space<vmem>>
    %dma_wait3A_147 = arith.constant 0 : i32
    %dma_wait3A_148 = arith.constant 0 : i32
    %dma_wait3A_149 = tpu.memref_slice %dma_wait3A_146[%dma_wait3A_147, %dma_wait3A_148] : memref<104x128xf32, #tpu.memory_space<vmem>> -> memref<104x128xf32, #tpu.memory_space<vmem>>
    %dma_wait3A_150 = arith.constant 208 : i32
    %dma_wait3A_151 = tpu.memref_slice %arg6[%dma_wait3A_150] : memref<10000xi32, #tpu.memory_space<vmem>> -> memref<104xi32, #tpu.memory_space<vmem>>
    %dma_wait3A_152 = arith.constant 0 : i32
    %dma_wait3A_153 = arith.constant 0 : i32
    %dma_wait3A_154 = tpu.memref_slice %arg2[%dma_wait3A_152, %dma_wait3A_153] : memref<10000x128xf32, #tpu.memory_space<hbm>> -> memref<10000x128xf32, #tpu.memory_space<hbm>>
    %dma_wait3A_155 = tpu.memref_slice %arg8[%dma_wait3A_142] : memref<3x!tpu.dma_semaphore, #tpu.memory_space<semaphore_mem>> -> memref<1x!tpu.dma_semaphore, #tpu.memory_space<semaphore_mem>>
    %dma_wait3A_156 = tpu.memref_squeeze %dma_wait3A_155 : memref<1x!tpu.dma_semaphore, #tpu.memory_space<semaphore_mem>> -> memref<!tpu.dma_semaphore, #tpu.memory_space<semaphore_mem>>
    tpu.wait_indirect_dma semaphore(%dma_wait3A_156 : memref<!tpu.dma_semaphore, #tpu.memory_space<semaphore_mem>>) src(%dma_wait3A_154 : memref<10000x128xf32, #tpu.memory_space<hbm>>) dst(%dma_wait3A_149 : memref<104x128xf32, #tpu.memory_space<vmem>>)
    %add3A_157 = arith.constant 208 : i32
    %add3A_158 = arith.addi %mul3A_2, %add3A_157 : i32
    %run_scoped3A_159 = arith.constant 2 : i32
    "tpu.region"() ({
      %run_scoped3A_272 = tpu.sem_alloc : memref<!tpu.dma_semaphore, #tpu.memory_space<semaphore_mem>>
      %dma_start3A_273 = arith.constant 0 : i32
      %dma_start3A_274 = arith.constant 0 : i32
      %dma_start3A_275 = tpu.memref_slice %arg7[%run_scoped3A_159, %dma_start3A_273, %dma_start3A_274] : memref<3x104x128xf32, #tpu.memory_space<vmem>> -> memref<1x104x128xf32, #tpu.memory_space<vmem>>
      %dma_start3A_276 = tpu.memref_squeeze %dma_start3A_275 : memref<1x104x128xf32, #tpu.memory_space<vmem>> -> memref<104x128xf32, #tpu.memory_space<vmem>>
      %dma_start3A_277 = arith.constant 0 : i32
      %dma_start3A_278 = arith.constant 0 : i32
      %dma_start3A_279 = tpu.memref_slice %dma_start3A_276[%dma_start3A_277, %dma_start3A_278] : memref<104x128xf32, #tpu.memory_space<vmem>> -> memref<104x128xf32, #tpu.memory_space<vmem>>
      %dma_start3A_280 = arith.constant 0 : i32
      %dma_start3A_281 = tpu.memref_slice %arg4[%add3A_158, %dma_start3A_280] : memref<320000x128xf32, #tpu.memory_space<hbm>> -> memref<104x128xf32, #tpu.memory_space<hbm>>
      %dma_start3A_282 = arith.constant 0 : i32
      %dma_start3A_283 = tpu.memref_slice %arg4[%add3A_158, %dma_start3A_282] : memref<320000x128xf32, #tpu.memory_space<hbm>> -> memref<104x128xf32, #tpu.memory_space<hbm>>
      %dma_start3A_284 = arith.constant 0 : i32
      %dma_start3A_285 = arith.constant 0 : i32
      %dma_start3A_286 = tpu.memref_slice %arg7[%run_scoped3A_159, %dma_start3A_284, %dma_start3A_285] : memref<3x104x128xf32, #tpu.memory_space<vmem>> -> memref<1x104x128xf32, #tpu.memory_space<vmem>>
      %dma_start3A_287 = tpu.memref_squeeze %dma_start3A_286 : memref<1x104x128xf32, #tpu.memory_space<vmem>> -> memref<104x128xf32, #tpu.memory_space<vmem>>
      %dma_start3A_288 = arith.constant 0 : i32
      %dma_start3A_289 = arith.constant 0 : i32
      %dma_start3A_290 = tpu.memref_slice %dma_start3A_287[%dma_start3A_288, %dma_start3A_289] : memref<104x128xf32, #tpu.memory_space<vmem>> -> memref<104x128xf32, #tpu.memory_space<vmem>>
      tpu.enqueue_dma source(%dma_start3A_290 : memref<104x128xf32, #tpu.memory_space<vmem>>) target(%dma_start3A_283 : memref<104x128xf32, #tpu.memory_space<hbm>>) target_semaphore(%run_scoped3A_272 : memref<!tpu.dma_semaphore, #tpu.memory_space<semaphore_mem>>)
      %dma_wait3A_291 = arith.constant 0 : i32
      %dma_wait3A_292 = arith.constant 0 : i32
      %dma_wait3A_293 = tpu.memref_slice %arg7[%run_scoped3A_159, %dma_wait3A_291, %dma_wait3A_292] : memref<3x104x128xf32, #tpu.memory_space<vmem>> -> memref<1x104x128xf32, #tpu.memory_space<vmem>>
      %dma_wait3A_294 = tpu.memref_squeeze %dma_wait3A_293 : memref<1x104x128xf32, #tpu.memory_space<vmem>> -> memref<104x128xf32, #tpu.memory_space<vmem>>
      %dma_wait3A_295 = arith.constant 0 : i32
      %dma_wait3A_296 = arith.constant 0 : i32
      %dma_wait3A_297 = tpu.memref_slice %dma_wait3A_294[%dma_wait3A_295, %dma_wait3A_296] : memref<104x128xf32, #tpu.memory_space<vmem>> -> memref<104x128xf32, #tpu.memory_space<vmem>>
      %dma_wait3A_298 = arith.constant 0 : i32
      %dma_wait3A_299 = tpu.memref_slice %arg4[%add3A_158, %dma_wait3A_298] : memref<320000x128xf32, #tpu.memory_space<hbm>> -> memref<104x128xf32, #tpu.memory_space<hbm>>
      %dma_wait3A_300 = arith.constant 0 : i32
      %dma_wait3A_301 = tpu.memref_slice %arg4[%add3A_158, %dma_wait3A_300] : memref<320000x128xf32, #tpu.memory_space<hbm>> -> memref<104x128xf32, #tpu.memory_space<hbm>>
      %dma_wait3A_302 = arith.constant 0 : i32
      %dma_wait3A_303 = arith.constant 0 : i32
      %dma_wait3A_304 = tpu.memref_slice %arg7[%run_scoped3A_159, %dma_wait3A_302, %dma_wait3A_303] : memref<3x104x128xf32, #tpu.memory_space<vmem>> -> memref<1x104x128xf32, #tpu.memory_space<vmem>>
      %dma_wait3A_305 = tpu.memref_squeeze %dma_wait3A_304 : memref<1x104x128xf32, #tpu.memory_space<vmem>> -> memref<104x128xf32, #tpu.memory_space<vmem>>
      %dma_wait3A_306 = arith.constant 0 : i32
      %dma_wait3A_307 = arith.constant 0 : i32
      %dma_wait3A_308 = tpu.memref_slice %dma_wait3A_305[%dma_wait3A_306, %dma_wait3A_307] : memref<104x128xf32, #tpu.memory_space<vmem>> -> memref<104x128xf32, #tpu.memory_space<vmem>>
      tpu.wait_dma2 semaphore(%run_scoped3A_272 : memref<!tpu.dma_semaphore, #tpu.memory_space<semaphore_mem>>) src(%dma_wait3A_308 : memref<104x128xf32, #tpu.memory_space<vmem>>) dst(%dma_wait3A_301 : memref<104x128xf32, #tpu.memory_space<hbm>>)
      tpu.yield
    }) : () -> ()
    %dma_start3A_160 = arith.constant 2 : i32
    %dma_start3A_161 = arith.constant 2 : i32
    %dma_start3A_162 = arith.constant 0 : i32
    %dma_start3A_163 = arith.constant 0 : i32
    %dma_start3A_164 = tpu.memref_slice %arg7[%dma_start3A_160, %dma_start3A_162, %dma_start3A_163] : memref<3x104x128xf32, #tpu.memory_space<vmem>> -> memref<1x104x128xf32, #tpu.memory_space<vmem>>
    %dma_start3A_165 = tpu.memref_squeeze %dma_start3A_164 : memref<1x104x128xf32, #tpu.memory_space<vmem>> -> memref<104x128xf32, #tpu.memory_space<vmem>>
    %dma_start3A_166 = arith.constant 0 : i32
    %dma_start3A_167 = arith.constant 0 : i32
    %dma_start3A_168 = tpu.memref_slice %dma_start3A_165[%dma_start3A_166, %dma_start3A_167] : memref<104x128xf32, #tpu.memory_space<vmem>> -> memref<104x128xf32, #tpu.memory_space<vmem>>
    %dma_start3A_169 = arith.constant 520 : i32
    %dma_start3A_170 = tpu.memref_slice %arg6[%dma_start3A_169] : memref<10000xi32, #tpu.memory_space<vmem>> -> memref<104xi32, #tpu.memory_space<vmem>>
    %dma_start3A_171 = arith.constant 0 : i32
    %dma_start3A_172 = arith.constant 0 : i32
    %dma_start3A_173 = tpu.memref_slice %arg5[%dma_start3A_171, %dma_start3A_172] : memref<10000x128xf32, #tpu.memory_space<vmem_shared>> -> memref<10000x128xf32, #tpu.memory_space<vmem_shared>>
    %dma_start3A_174 = tpu.memref_slice %arg8[%dma_start3A_161] : memref<3x!tpu.dma_semaphore, #tpu.memory_space<semaphore_mem>> -> memref<1x!tpu.dma_semaphore, #tpu.memory_space<semaphore_mem>>
    %dma_start3A_175 = tpu.memref_squeeze %dma_start3A_174 : memref<1x!tpu.dma_semaphore, #tpu.memory_space<semaphore_mem>> -> memref<!tpu.dma_semaphore, #tpu.memory_space<semaphore_mem>>
    tpu.enqueue_indirect_dma source(%dma_start3A_173 : memref<10000x128xf32, #tpu.memory_space<vmem_shared>>) target(%dma_start3A_168 : memref<104x128xf32, #tpu.memory_space<vmem>>) offsets(%dma_start3A_170 : memref<104xi32, #tpu.memory_space<vmem>>) semaphore(%dma_start3A_175 : memref<!tpu.dma_semaphore, #tpu.memory_space<semaphore_mem>>)
    %scan3A = arith.constant 0 : i32
    %scan3A_176 = arith.constant 30 : i32
    %scan3A_177 = arith.addi %scan3A, %scan3A_176 : i32
    %scan3A_178 = arith.constant 1 : i32
    scf.for %scan3A_272 = %scan3A to %scan3A_177 step %scan3A_178  : i32 {
      %mul3A_273 = arith.constant 3 : i32
      %mul3A_274 = arith.muli %scan3A_272, %mul3A_273 : i32
      %add3A_275 = arith.constant 3 : i32
      %add3A_276 = arith.addi %add3A_275, %mul3A_274 : i32
      %add3A_277 = arith.constant 0 : i32
      %add3A_278 = arith.addi %add3A_276, %add3A_277 : i32
      %mul3A_279 = arith.constant 104 : i32
      %mul3A_280 = arith.muli %add3A_278, %mul3A_279 : i32
      %dma_wait3A_281 = arith.constant 0 : i32
      %dma_wait3A_282 = arith.constant 0 : i32
      %dma_wait3A_283 = arith.constant 0 : i32
      %dma_wait3A_284 = arith.constant 0 : i32
      %dma_wait3A_285 = tpu.memref_slice %arg7[%dma_wait3A_281, %dma_wait3A_283, %dma_wait3A_284] : memref<3x104x128xf32, #tpu.memory_space<vmem>> -> memref<1x104x128xf32, #tpu.memory_space<vmem>>
      %dma_wait3A_286 = tpu.memref_squeeze %dma_wait3A_285 : memref<1x104x128xf32, #tpu.memory_space<vmem>> -> memref<104x128xf32, #tpu.memory_space<vmem>>
      %dma_wait3A_287 = arith.constant 0 : i32
      %dma_wait3A_288 = arith.constant 0 : i32
      %dma_wait3A_289 = tpu.memref_slice %dma_wait3A_286[%dma_wait3A_287, %dma_wait3A_288] : memref<104x128xf32, #tpu.memory_space<vmem>> -> memref<104x128xf32, #tpu.memory_space<vmem>>
      %dma_wait3A_290 = tpu.memref_slice %arg6[%mul3A_280] : memref<10000xi32, #tpu.memory_space<vmem>> -> memref<104xi32, #tpu.memory_space<vmem>>
      %dma_wait3A_291 = arith.constant 0 : i32
      %dma_wait3A_292 = arith.constant 0 : i32
      %dma_wait3A_293 = tpu.memref_slice %arg5[%dma_wait3A_291, %dma_wait3A_292] : memref<10000x128xf32, #tpu.memory_space<vmem_shared>> -> memref<10000x128xf32, #tpu.memory_space<vmem_shared>>
      %dma_wait3A_294 = tpu.memref_slice %arg8[%dma_wait3A_282] : memref<3x!tpu.dma_semaphore, #tpu.memory_space<semaphore_mem>> -> memref<1x!tpu.dma_semaphore, #tpu.memory_space<semaphore_mem>>
      %dma_wait3A_295 = tpu.memref_squeeze %dma_wait3A_294 : memref<1x!tpu.dma_semaphore, #tpu.memory_space<semaphore_mem>> -> memref<!tpu.dma_semaphore, #tpu.memory_space<semaphore_mem>>
      tpu.wait_indirect_dma semaphore(%dma_wait3A_295 : memref<!tpu.dma_semaphore, #tpu.memory_space<semaphore_mem>>) src(%dma_wait3A_293 : memref<10000x128xf32, #tpu.memory_space<vmem_shared>>) dst(%dma_wait3A_289 : memref<104x128xf32, #tpu.memory_space<vmem>>)
      %mul3A_296 = arith.constant 104 : i32
      %mul3A_297 = arith.muli %add3A_278, %mul3A_296 : i32
      %add3A_298 = arith.addi %mul3A_2, %mul3A_297 : i32
      %run_scoped3A_299 = arith.constant 0 : i32
      "tpu.region"() ({
        %run_scoped3A_409 = tpu.sem_alloc : memref<!tpu.dma_semaphore, #tpu.memory_space<semaphore_mem>>
        %dma_start3A_410 = arith.constant 0 : i32
        %dma_start3A_411 = arith.constant 0 : i32
        %dma_start3A_412 = tpu.memref_slice %arg7[%run_scoped3A_299, %dma_start3A_410, %dma_start3A_411] : memref<3x104x128xf32, #tpu.memory_space<vmem>> -> memref<1x104x128xf32, #tpu.memory_space<vmem>>
        %dma_start3A_413 = tpu.memref_squeeze %dma_start3A_412 : memref<1x104x128xf32, #tpu.memory_space<vmem>> -> memref<104x128xf32, #tpu.memory_space<vmem>>
        %dma_start3A_414 = arith.constant 0 : i32
        %dma_start3A_415 = arith.constant 0 : i32
        %dma_start3A_416 = tpu.memref_slice %dma_start3A_413[%dma_start3A_414, %dma_start3A_415] : memref<104x128xf32, #tpu.memory_space<vmem>> -> memref<104x128xf32, #tpu.memory_space<vmem>>
        %dma_start3A_417 = arith.constant 0 : i32
        %dma_start3A_418 = tpu.memref_slice %arg4[%add3A_298, %dma_start3A_417] : memref<320000x128xf32, #tpu.memory_space<hbm>> -> memref<104x128xf32, #tpu.memory_space<hbm>>
        %dma_start3A_419 = arith.constant 0 : i32
        %dma_start3A_420 = tpu.memref_slice %arg4[%add3A_298, %dma_start3A_419] : memref<320000x128xf32, #tpu.memory_space<hbm>> -> memref<104x128xf32, #tpu.memory_space<hbm>>
        %dma_start3A_421 = arith.constant 0 : i32
        %dma_start3A_422 = arith.constant 0 : i32
        %dma_start3A_423 = tpu.memref_slice %arg7[%run_scoped3A_299, %dma_start3A_421, %dma_start3A_422] : memref<3x104x128xf32, #tpu.memory_space<vmem>> -> memref<1x104x128xf32, #tpu.memory_space<vmem>>
        %dma_start3A_424 = tpu.memref_squeeze %dma_start3A_423 : memref<1x104x128xf32, #tpu.memory_space<vmem>> -> memref<104x128xf32, #tpu.memory_space<vmem>>
        %dma_start3A_425 = arith.constant 0 : i32
        %dma_start3A_426 = arith.constant 0 : i32
        %dma_start3A_427 = tpu.memref_slice %dma_start3A_424[%dma_start3A_425, %dma_start3A_426] : memref<104x128xf32, #tpu.memory_space<vmem>> -> memref<104x128xf32, #tpu.memory_space<vmem>>
        tpu.enqueue_dma source(%dma_start3A_427 : memref<104x128xf32, #tpu.memory_space<vmem>>) target(%dma_start3A_420 : memref<104x128xf32, #tpu.memory_space<hbm>>) target_semaphore(%run_scoped3A_409 : memref<!tpu.dma_semaphore, #tpu.memory_space<semaphore_mem>>)
        %dma_wait3A_428 = arith.constant 0 : i32
        %dma_wait3A_429 = arith.constant 0 : i32
        %dma_wait3A_430 = tpu.memref_slice %arg7[%run_scoped3A_299, %dma_wait3A_428, %dma_wait3A_429] : memref<3x104x128xf32, #tpu.memory_space<vmem>> -> memref<1x104x128xf32, #tpu.memory_space<vmem>>
        %dma_wait3A_431 = tpu.memref_squeeze %dma_wait3A_430 : memref<1x104x128xf32, #tpu.memory_space<vmem>> -> memref<104x128xf32, #tpu.memory_space<vmem>>
        %dma_wait3A_432 = arith.constant 0 : i32
        %dma_wait3A_433 = arith.constant 0 : i32
        %dma_wait3A_434 = tpu.memref_slice %dma_wait3A_431[%dma_wait3A_432, %dma_wait3A_433] : memref<104x128xf32, #tpu.memory_space<vmem>> -> memref<104x128xf32, #tpu.memory_space<vmem>>
        %dma_wait3A_435 = arith.constant 0 : i32
        %dma_wait3A_436 = tpu.memref_slice %arg4[%add3A_298, %dma_wait3A_435] : memref<320000x128xf32, #tpu.memory_space<hbm>> -> memref<104x128xf32, #tpu.memory_space<hbm>>
        %dma_wait3A_437 = arith.constant 0 : i32
        %dma_wait3A_438 = tpu.memref_slice %arg4[%add3A_298, %dma_wait3A_437] : memref<320000x128xf32, #tpu.memory_space<hbm>> -> memref<104x128xf32, #tpu.memory_space<hbm>>
        %dma_wait3A_439 = arith.constant 0 : i32
        %dma_wait3A_440 = arith.constant 0 : i32
        %dma_wait3A_441 = tpu.memref_slice %arg7[%run_scoped3A_299, %dma_wait3A_439, %dma_wait3A_440] : memref<3x104x128xf32, #tpu.memory_space<vmem>> -> memref<1x104x128xf32, #tpu.memory_space<vmem>>
        %dma_wait3A_442 = tpu.memref_squeeze %dma_wait3A_441 : memref<1x104x128xf32, #tpu.memory_space<vmem>> -> memref<104x128xf32, #tpu.memory_space<vmem>>
        %dma_wait3A_443 = arith.constant 0 : i32
        %dma_wait3A_444 = arith.constant 0 : i32
        %dma_wait3A_445 = tpu.memref_slice %dma_wait3A_442[%dma_wait3A_443, %dma_wait3A_444] : memref<104x128xf32, #tpu.memory_space<vmem>> -> memref<104x128xf32, #tpu.memory_space<vmem>>
        tpu.wait_dma2 semaphore(%run_scoped3A_409 : memref<!tpu.dma_semaphore, #tpu.memory_space<semaphore_mem>>) src(%dma_wait3A_445 : memref<104x128xf32, #tpu.memory_space<vmem>>) dst(%dma_wait3A_438 : memref<104x128xf32, #tpu.memory_space<hbm>>)
        tpu.yield
      }) : () -> ()
      %add3A_300 = arith.constant 0 : i32
      %add3A_301 = arith.addi %add3A_276, %add3A_300 : i32
      %add3A_302 = arith.constant 3 : i32
      %add3A_303 = arith.addi %add3A_301, %add3A_302 : i32
      %mul3A_304 = arith.constant 104 : i32
      %mul3A_305 = arith.muli %add3A_303, %mul3A_304 : i32
      %dma_start3A_306 = arith.constant 0 : i32
      %dma_start3A_307 = arith.constant 0 : i32
      %dma_start3A_308 = arith.constant 0 : i32
      %dma_start3A_309 = arith.constant 0 : i32
      %dma_start3A_310 = tpu.memref_slice %arg7[%dma_start3A_306, %dma_start3A_308, %dma_start3A_309] : memref<3x104x128xf32, #tpu.memory_space<vmem>> -> memref<1x104x128xf32, #tpu.memory_space<vmem>>
      %dma_start3A_311 = tpu.memref_squeeze %dma_start3A_310 : memref<1x104x128xf32, #tpu.memory_space<vmem>> -> memref<104x128xf32, #tpu.memory_space<vmem>>
      %dma_start3A_312 = arith.constant 0 : i32
      %dma_start3A_313 = arith.constant 0 : i32
      %dma_start3A_314 = tpu.memref_slice %dma_start3A_311[%dma_start3A_312, %dma_start3A_313] : memref<104x128xf32, #tpu.memory_space<vmem>> -> memref<104x128xf32, #tpu.memory_space<vmem>>
      %dma_start3A_315 = tpu.memref_slice %arg6[%mul3A_305] : memref<10000xi32, #tpu.memory_space<vmem>> -> memref<104xi32, #tpu.memory_space<vmem>>
      %dma_start3A_316 = arith.constant 0 : i32
      %dma_start3A_317 = arith.constant 0 : i32
      %dma_start3A_318 = tpu.memref_slice %arg5[%dma_start3A_316, %dma_start3A_317] : memref<10000x128xf32, #tpu.memory_space<vmem_shared>> -> memref<10000x128xf32, #tpu.memory_space<vmem_shared>>
      %dma_start3A_319 = tpu.memref_slice %arg8[%dma_start3A_307] : memref<3x!tpu.dma_semaphore, #tpu.memory_space<semaphore_mem>> -> memref<1x!tpu.dma_semaphore, #tpu.memory_space<semaphore_mem>>
      %dma_start3A_320 = tpu.memref_squeeze %dma_start3A_319 : memref<1x!tpu.dma_semaphore, #tpu.memory_space<semaphore_mem>> -> memref<!tpu.dma_semaphore, #tpu.memory_space<semaphore_mem>>
      tpu.enqueue_indirect_dma source(%dma_start3A_318 : memref<10000x128xf32, #tpu.memory_space<vmem_shared>>) target(%dma_start3A_314 : memref<104x128xf32, #tpu.memory_space<vmem>>) offsets(%dma_start3A_315 : memref<104xi32, #tpu.memory_space<vmem>>) semaphore(%dma_start3A_320 : memref<!tpu.dma_semaphore, #tpu.memory_space<semaphore_mem>>)
      %add3A_321 = arith.constant 1 : i32
      %add3A_322 = arith.addi %add3A_276, %add3A_321 : i32
      %mul3A_323 = arith.constant 104 : i32
      %mul3A_324 = arith.muli %add3A_322, %mul3A_323 : i32
      %dma_wait3A_325 = arith.constant 1 : i32
      %dma_wait3A_326 = arith.constant 1 : i32
      %dma_wait3A_327 = arith.constant 0 : i32
      %dma_wait3A_328 = arith.constant 0 : i32
      %dma_wait3A_329 = tpu.memref_slice %arg7[%dma_wait3A_325, %dma_wait3A_327, %dma_wait3A_328] : memref<3x104x128xf32, #tpu.memory_space<vmem>> -> memref<1x104x128xf32, #tpu.memory_space<vmem>>
      %dma_wait3A_330 = tpu.memref_squeeze %dma_wait3A_329 : memref<1x104x128xf32, #tpu.memory_space<vmem>> -> memref<104x128xf32, #tpu.memory_space<vmem>>
      %dma_wait3A_331 = arith.constant 0 : i32
      %dma_wait3A_332 = arith.constant 0 : i32
      %dma_wait3A_333 = tpu.memref_slice %dma_wait3A_330[%dma_wait3A_331, %dma_wait3A_332] : memref<104x128xf32, #tpu.memory_space<vmem>> -> memref<104x128xf32, #tpu.memory_space<vmem>>
      %dma_wait3A_334 = tpu.memref_slice %arg6[%mul3A_324] : memref<10000xi32, #tpu.memory_space<vmem>> -> memref<104xi32, #tpu.memory_space<vmem>>
      %dma_wait3A_335 = arith.constant 0 : i32
      %dma_wait3A_336 = arith.constant 0 : i32
      %dma_wait3A_337 = tpu.memref_slice %arg5[%dma_wait3A_335, %dma_wait3A_336] : memref<10000x128xf32, #tpu.memory_space<vmem_shared>> -> memref<10000x128xf32, #tpu.memory_space<vmem_shared>>
      %dma_wait3A_338 = tpu.memref_slice %arg8[%dma_wait3A_326] : memref<3x!tpu.dma_semaphore, #tpu.memory_space<semaphore_mem>> -> memref<1x!tpu.dma_semaphore, #tpu.memory_space<semaphore_mem>>
      %dma_wait3A_339 = tpu.memref_squeeze %dma_wait3A_338 : memref<1x!tpu.dma_semaphore, #tpu.memory_space<semaphore_mem>> -> memref<!tpu.dma_semaphore, #tpu.memory_space<semaphore_mem>>
      tpu.wait_indirect_dma semaphore(%dma_wait3A_339 : memref<!tpu.dma_semaphore, #tpu.memory_space<semaphore_mem>>) src(%dma_wait3A_337 : memref<10000x128xf32, #tpu.memory_space<vmem_shared>>) dst(%dma_wait3A_333 : memref<104x128xf32, #tpu.memory_space<vmem>>)
      %mul3A_340 = arith.constant 104 : i32
      %mul3A_341 = arith.muli %add3A_322, %mul3A_340 : i32
      %add3A_342 = arith.addi %mul3A_2, %mul3A_341 : i32
      %run_scoped3A_343 = arith.constant 1 : i32
      "tpu.region"() ({
        %run_scoped3A_409 = tpu.sem_alloc : memref<!tpu.dma_semaphore, #tpu.memory_space<semaphore_mem>>
        %dma_start3A_410 = arith.constant 0 : i32
        %dma_start3A_411 = arith.constant 0 : i32
        %dma_start3A_412 = tpu.memref_slice %arg7[%run_scoped3A_343, %dma_start3A_410, %dma_start3A_411] : memref<3x104x128xf32, #tpu.memory_space<vmem>> -> memref<1x104x128xf32, #tpu.memory_space<vmem>>
        %dma_start3A_413 = tpu.memref_squeeze %dma_start3A_412 : memref<1x104x128xf32, #tpu.memory_space<vmem>> -> memref<104x128xf32, #tpu.memory_space<vmem>>
        %dma_start3A_414 = arith.constant 0 : i32
        %dma_start3A_415 = arith.constant 0 : i32
        %dma_start3A_416 = tpu.memref_slice %dma_start3A_413[%dma_start3A_414, %dma_start3A_415] : memref<104x128xf32, #tpu.memory_space<vmem>> -> memref<104x128xf32, #tpu.memory_space<vmem>>
        %dma_start3A_417 = arith.constant 0 : i32
        %dma_start3A_418 = tpu.memref_slice %arg4[%add3A_342, %dma_start3A_417] : memref<320000x128xf32, #tpu.memory_space<hbm>> -> memref<104x128xf32, #tpu.memory_space<hbm>>
        %dma_start3A_419 = arith.constant 0 : i32
        %dma_start3A_420 = tpu.memref_slice %arg4[%add3A_342, %dma_start3A_419] : memref<320000x128xf32, #tpu.memory_space<hbm>> -> memref<104x128xf32, #tpu.memory_space<hbm>>
        %dma_start3A_421 = arith.constant 0 : i32
        %dma_start3A_422 = arith.constant 0 : i32
        %dma_start3A_423 = tpu.memref_slice %arg7[%run_scoped3A_343, %dma_start3A_421, %dma_start3A_422] : memref<3x104x128xf32, #tpu.memory_space<vmem>> -> memref<1x104x128xf32, #tpu.memory_space<vmem>>
        %dma_start3A_424 = tpu.memref_squeeze %dma_start3A_423 : memref<1x104x128xf32, #tpu.memory_space<vmem>> -> memref<104x128xf32, #tpu.memory_space<vmem>>
        %dma_start3A_425 = arith.constant 0 : i32
        %dma_start3A_426 = arith.constant 0 : i32
        %dma_start3A_427 = tpu.memref_slice %dma_start3A_424[%dma_start3A_425, %dma_start3A_426] : memref<104x128xf32, #tpu.memory_space<vmem>> -> memref<104x128xf32, #tpu.memory_space<vmem>>
        tpu.enqueue_dma source(%dma_start3A_427 : memref<104x128xf32, #tpu.memory_space<vmem>>) target(%dma_start3A_420 : memref<104x128xf32, #tpu.memory_space<hbm>>) target_semaphore(%run_scoped3A_409 : memref<!tpu.dma_semaphore, #tpu.memory_space<semaphore_mem>>)
        %dma_wait3A_428 = arith.constant 0 : i32
        %dma_wait3A_429 = arith.constant 0 : i32
        %dma_wait3A_430 = tpu.memref_slice %arg7[%run_scoped3A_343, %dma_wait3A_428, %dma_wait3A_429] : memref<3x104x128xf32, #tpu.memory_space<vmem>> -> memref<1x104x128xf32, #tpu.memory_space<vmem>>
        %dma_wait3A_431 = tpu.memref_squeeze %dma_wait3A_430 : memref<1x104x128xf32, #tpu.memory_space<vmem>> -> memref<104x128xf32, #tpu.memory_space<vmem>>
        %dma_wait3A_432 = arith.constant 0 : i32
        %dma_wait3A_433 = arith.constant 0 : i32
        %dma_wait3A_434 = tpu.memref_slice %dma_wait3A_431[%dma_wait3A_432, %dma_wait3A_433] : memref<104x128xf32, #tpu.memory_space<vmem>> -> memref<104x128xf32, #tpu.memory_space<vmem>>
        %dma_wait3A_435 = arith.constant 0 : i32
        %dma_wait3A_436 = tpu.memref_slice %arg4[%add3A_342, %dma_wait3A_435] : memref<320000x128xf32, #tpu.memory_space<hbm>> -> memref<104x128xf32, #tpu.memory_space<hbm>>
        %dma_wait3A_437 = arith.constant 0 : i32
        %dma_wait3A_438 = tpu.memref_slice %arg4[%add3A_342, %dma_wait3A_437] : memref<320000x128xf32, #tpu.memory_space<hbm>> -> memref<104x128xf32, #tpu.memory_space<hbm>>
        %dma_wait3A_439 = arith.constant 0 : i32
        %dma_wait3A_440 = arith.constant 0 : i32
        %dma_wait3A_441 = tpu.memref_slice %arg7[%run_scoped3A_343, %dma_wait3A_439, %dma_wait3A_440] : memref<3x104x128xf32, #tpu.memory_space<vmem>> -> memref<1x104x128xf32, #tpu.memory_space<vmem>>
        %dma_wait3A_442 = tpu.memref_squeeze %dma_wait3A_441 : memref<1x104x128xf32, #tpu.memory_space<vmem>> -> memref<104x128xf32, #tpu.memory_space<vmem>>
        %dma_wait3A_443 = arith.constant 0 : i32
        %dma_wait3A_444 = arith.constant 0 : i32
        %dma_wait3A_445 = tpu.memref_slice %dma_wait3A_442[%dma_wait3A_443, %dma_wait3A_444] : memref<104x128xf32, #tpu.memory_space<vmem>> -> memref<104x128xf32, #tpu.memory_space<vmem>>
        tpu.wait_dma2 semaphore(%run_scoped3A_409 : memref<!tpu.dma_semaphore, #tpu.memory_space<semaphore_mem>>) src(%dma_wait3A_445 : memref<104x128xf32, #tpu.memory_space<vmem>>) dst(%dma_wait3A_438 : memref<104x128xf32, #tpu.memory_space<hbm>>)
        tpu.yield
      }) : () -> ()
      %add3A_344 = arith.constant 1 : i32
      %add3A_345 = arith.addi %add3A_276, %add3A_344 : i32
      %add3A_346 = arith.constant 3 : i32
      %add3A_347 = arith.addi %add3A_345, %add3A_346 : i32
      %mul3A_348 = arith.constant 104 : i32
      %mul3A_349 = arith.muli %add3A_347, %mul3A_348 : i32
      %dma_start3A_350 = arith.constant 1 : i32
      %dma_start3A_351 = arith.constant 1 : i32
      %dma_start3A_352 = arith.constant 0 : i32
      %dma_start3A_353 = arith.constant 0 : i32
      %dma_start3A_354 = tpu.memref_slice %arg7[%dma_start3A_350, %dma_start3A_352, %dma_start3A_353] : memref<3x104x128xf32, #tpu.memory_space<vmem>> -> memref<1x104x128xf32, #tpu.memory_space<vmem>>
      %dma_start3A_355 = tpu.memref_squeeze %dma_start3A_354 : memref<1x104x128xf32, #tpu.memory_space<vmem>> -> memref<104x128xf32, #tpu.memory_space<vmem>>
      %dma_start3A_356 = arith.constant 0 : i32
      %dma_start3A_357 = arith.constant 0 : i32
      %dma_start3A_358 = tpu.memref_slice %dma_start3A_355[%dma_start3A_356, %dma_start3A_357] : memref<104x128xf32, #tpu.memory_space<vmem>> -> memref<104x128xf32, #tpu.memory_space<vmem>>
      %dma_start3A_359 = tpu.memref_slice %arg6[%mul3A_349] : memref<10000xi32, #tpu.memory_space<vmem>> -> memref<104xi32, #tpu.memory_space<vmem>>
      %dma_start3A_360 = arith.constant 0 : i32
      %dma_start3A_361 = arith.constant 0 : i32
      %dma_start3A_362 = tpu.memref_slice %arg5[%dma_start3A_360, %dma_start3A_361] : memref<10000x128xf32, #tpu.memory_space<vmem_shared>> -> memref<10000x128xf32, #tpu.memory_space<vmem_shared>>
      %dma_start3A_363 = tpu.memref_slice %arg8[%dma_start3A_351] : memref<3x!tpu.dma_semaphore, #tpu.memory_space<semaphore_mem>> -> memref<1x!tpu.dma_semaphore, #tpu.memory_space<semaphore_mem>>
      %dma_start3A_364 = tpu.memref_squeeze %dma_start3A_363 : memref<1x!tpu.dma_semaphore, #tpu.memory_space<semaphore_mem>> -> memref<!tpu.dma_semaphore, #tpu.memory_space<semaphore_mem>>
      tpu.enqueue_indirect_dma source(%dma_start3A_362 : memref<10000x128xf32, #tpu.memory_space<vmem_shared>>) target(%dma_start3A_358 : memref<104x128xf32, #tpu.memory_space<vmem>>) offsets(%dma_start3A_359 : memref<104xi32, #tpu.memory_space<vmem>>) semaphore(%dma_start3A_364 : memref<!tpu.dma_semaphore, #tpu.memory_space<semaphore_mem>>)
      %add3A_365 = arith.constant 2 : i32
      %add3A_366 = arith.addi %add3A_276, %add3A_365 : i32
      %mul3A_367 = arith.constant 104 : i32
      %mul3A_368 = arith.muli %add3A_366, %mul3A_367 : i32
      %dma_wait3A_369 = arith.constant 2 : i32
      %dma_wait3A_370 = arith.constant 2 : i32
      %dma_wait3A_371 = arith.constant 0 : i32
      %dma_wait3A_372 = arith.constant 0 : i32
      %dma_wait3A_373 = tpu.memref_slice %arg7[%dma_wait3A_369, %dma_wait3A_371, %dma_wait3A_372] : memref<3x104x128xf32, #tpu.memory_space<vmem>> -> memref<1x104x128xf32, #tpu.memory_space<vmem>>
      %dma_wait3A_374 = tpu.memref_squeeze %dma_wait3A_373 : memref<1x104x128xf32, #tpu.memory_space<vmem>> -> memref<104x128xf32, #tpu.memory_space<vmem>>
      %dma_wait3A_375 = arith.constant 0 : i32
      %dma_wait3A_376 = arith.constant 0 : i32
      %dma_wait3A_377 = tpu.memref_slice %dma_wait3A_374[%dma_wait3A_375, %dma_wait3A_376] : memref<104x128xf32, #tpu.memory_space<vmem>> -> memref<104x128xf32, #tpu.memory_space<vmem>>
      %dma_wait3A_378 = tpu.memref_slice %arg6[%mul3A_368] : memref<10000xi32, #tpu.memory_space<vmem>> -> memref<104xi32, #tpu.memory_space<vmem>>
      %dma_wait3A_379 = arith.constant 0 : i32
      %dma_wait3A_380 = arith.constant 0 : i32
      %dma_wait3A_381 = tpu.memref_slice %arg5[%dma_wait3A_379, %dma_wait3A_380] : memref<10000x128xf32, #tpu.memory_space<vmem_shared>> -> memref<10000x128xf32, #tpu.memory_space<vmem_shared>>
      %dma_wait3A_382 = tpu.memref_slice %arg8[%dma_wait3A_370] : memref<3x!tpu.dma_semaphore, #tpu.memory_space<semaphore_mem>> -> memref<1x!tpu.dma_semaphore, #tpu.memory_space<semaphore_mem>>
      %dma_wait3A_383 = tpu.memref_squeeze %dma_wait3A_382 : memref<1x!tpu.dma_semaphore, #tpu.memory_space<semaphore_mem>> -> memref<!tpu.dma_semaphore, #tpu.memory_space<semaphore_mem>>
      tpu.wait_indirect_dma semaphore(%dma_wait3A_383 : memref<!tpu.dma_semaphore, #tpu.memory_space<semaphore_mem>>) src(%dma_wait3A_381 : memref<10000x128xf32, #tpu.memory_space<vmem_shared>>) dst(%dma_wait3A_377 : memref<104x128xf32, #tpu.memory_space<vmem>>)
      %mul3A_384 = arith.constant 104 : i32
      %mul3A_385 = arith.muli %add3A_366, %mul3A_384 : i32
      %add3A_386 = arith.addi %mul3A_2, %mul3A_385 : i32
      %run_scoped3A_387 = arith.constant 2 : i32
      "tpu.region"() ({
        %run_scoped3A_409 = tpu.sem_alloc : memref<!tpu.dma_semaphore, #tpu.memory_space<semaphore_mem>>
        %dma_start3A_410 = arith.constant 0 : i32
        %dma_start3A_411 = arith.constant 0 : i32
        %dma_start3A_412 = tpu.memref_slice %arg7[%run_scoped3A_387, %dma_start3A_410, %dma_start3A_411] : memref<3x104x128xf32, #tpu.memory_space<vmem>> -> memref<1x104x128xf32, #tpu.memory_space<vmem>>
        %dma_start3A_413 = tpu.memref_squeeze %dma_start3A_412 : memref<1x104x128xf32, #tpu.memory_space<vmem>> -> memref<104x128xf32, #tpu.memory_space<vmem>>
        %dma_start3A_414 = arith.constant 0 : i32
        %dma_start3A_415 = arith.constant 0 : i32
        %dma_start3A_416 = tpu.memref_slice %dma_start3A_413[%dma_start3A_414, %dma_start3A_415] : memref<104x128xf32, #tpu.memory_space<vmem>> -> memref<104x128xf32, #tpu.memory_space<vmem>>
        %dma_start3A_417 = arith.constant 0 : i32
        %dma_start3A_418 = tpu.memref_slice %arg4[%add3A_386, %dma_start3A_417] : memref<320000x128xf32, #tpu.memory_space<hbm>> -> memref<104x128xf32, #tpu.memory_space<hbm>>
        %dma_start3A_419 = arith.constant 0 : i32
        %dma_start3A_420 = tpu.memref_slice %arg4[%add3A_386, %dma_start3A_419] : memref<320000x128xf32, #tpu.memory_space<hbm>> -> memref<104x128xf32, #tpu.memory_space<hbm>>
        %dma_start3A_421 = arith.constant 0 : i32
        %dma_start3A_422 = arith.constant 0 : i32
        %dma_start3A_423 = tpu.memref_slice %arg7[%run_scoped3A_387, %dma_start3A_421, %dma_start3A_422] : memref<3x104x128xf32, #tpu.memory_space<vmem>> -> memref<1x104x128xf32, #tpu.memory_space<vmem>>
        %dma_start3A_424 = tpu.memref_squeeze %dma_start3A_423 : memref<1x104x128xf32, #tpu.memory_space<vmem>> -> memref<104x128xf32, #tpu.memory_space<vmem>>
        %dma_start3A_425 = arith.constant 0 : i32
        %dma_start3A_426 = arith.constant 0 : i32
        %dma_start3A_427 = tpu.memref_slice %dma_start3A_424[%dma_start3A_425, %dma_start3A_426] : memref<104x128xf32, #tpu.memory_space<vmem>> -> memref<104x128xf32, #tpu.memory_space<vmem>>
        tpu.enqueue_dma source(%dma_start3A_427 : memref<104x128xf32, #tpu.memory_space<vmem>>) target(%dma_start3A_420 : memref<104x128xf32, #tpu.memory_space<hbm>>) target_semaphore(%run_scoped3A_409 : memref<!tpu.dma_semaphore, #tpu.memory_space<semaphore_mem>>)
        %dma_wait3A_428 = arith.constant 0 : i32
        %dma_wait3A_429 = arith.constant 0 : i32
        %dma_wait3A_430 = tpu.memref_slice %arg7[%run_scoped3A_387, %dma_wait3A_428, %dma_wait3A_429] : memref<3x104x128xf32, #tpu.memory_space<vmem>> -> memref<1x104x128xf32, #tpu.memory_space<vmem>>
        %dma_wait3A_431 = tpu.memref_squeeze %dma_wait3A_430 : memref<1x104x128xf32, #tpu.memory_space<vmem>> -> memref<104x128xf32, #tpu.memory_space<vmem>>
        %dma_wait3A_432 = arith.constant 0 : i32
        %dma_wait3A_433 = arith.constant 0 : i32
        %dma_wait3A_434 = tpu.memref_slice %dma_wait3A_431[%dma_wait3A_432, %dma_wait3A_433] : memref<104x128xf32, #tpu.memory_space<vmem>> -> memref<104x128xf32, #tpu.memory_space<vmem>>
        %dma_wait3A_435 = arith.constant 0 : i32
        %dma_wait3A_436 = tpu.memref_slice %arg4[%add3A_386, %dma_wait3A_435] : memref<320000x128xf32, #tpu.memory_space<hbm>> -> memref<104x128xf32, #tpu.memory_space<hbm>>
        %dma_wait3A_437 = arith.constant 0 : i32
        %dma_wait3A_438 = tpu.memref_slice %arg4[%add3A_386, %dma_wait3A_437] : memref<320000x128xf32, #tpu.memory_space<hbm>> -> memref<104x128xf32, #tpu.memory_space<hbm>>
        %dma_wait3A_439 = arith.constant 0 : i32
        %dma_wait3A_440 = arith.constant 0 : i32
        %dma_wait3A_441 = tpu.memref_slice %arg7[%run_scoped3A_387, %dma_wait3A_439, %dma_wait3A_440] : memref<3x104x128xf32, #tpu.memory_space<vmem>> -> memref<1x104x128xf32, #tpu.memory_space<vmem>>
        %dma_wait3A_442 = tpu.memref_squeeze %dma_wait3A_441 : memref<1x104x128xf32, #tpu.memory_space<vmem>> -> memref<104x128xf32, #tpu.memory_space<vmem>>
        %dma_wait3A_443 = arith.constant 0 : i32
        %dma_wait3A_444 = arith.constant 0 : i32
        %dma_wait3A_445 = tpu.memref_slice %dma_wait3A_442[%dma_wait3A_443, %dma_wait3A_444] : memref<104x128xf32, #tpu.memory_space<vmem>> -> memref<104x128xf32, #tpu.memory_space<vmem>>
        tpu.wait_dma2 semaphore(%run_scoped3A_409 : memref<!tpu.dma_semaphore, #tpu.memory_space<semaphore_mem>>) src(%dma_wait3A_445 : memref<104x128xf32, #tpu.memory_space<vmem>>) dst(%dma_wait3A_438 : memref<104x128xf32, #tpu.memory_space<hbm>>)
        tpu.yield
      }) : () -> ()
      %add3A_388 = arith.constant 2 : i32
      %add3A_389 = arith.addi %add3A_276, %add3A_388 : i32
      %add3A_390 = arith.constant 3 : i32
      %add3A_391 = arith.addi %add3A_389, %add3A_390 : i32
      %mul3A_392 = arith.constant 104 : i32
      %mul3A_393 = arith.muli %add3A_391, %mul3A_392 : i32
      %dma_start3A_394 = arith.constant 2 : i32
      %dma_start3A_395 = arith.constant 2 : i32
      %dma_start3A_396 = arith.constant 0 : i32
      %dma_start3A_397 = arith.constant 0 : i32
      %dma_start3A_398 = tpu.memref_slice %arg7[%dma_start3A_394, %dma_start3A_396, %dma_start3A_397] : memref<3x104x128xf32, #tpu.memory_space<vmem>> -> memref<1x104x128xf32, #tpu.memory_space<vmem>>
      %dma_start3A_399 = tpu.memref_squeeze %dma_start3A_398 : memref<1x104x128xf32, #tpu.memory_space<vmem>> -> memref<104x128xf32, #tpu.memory_space<vmem>>
      %dma_start3A_400 = arith.constant 0 : i32
      %dma_start3A_401 = arith.constant 0 : i32
      %dma_start3A_402 = tpu.memref_slice %dma_start3A_399[%dma_start3A_400, %dma_start3A_401] : memref<104x128xf32, #tpu.memory_space<vmem>> -> memref<104x128xf32, #tpu.memory_space<vmem>>
      %dma_start3A_403 = tpu.memref_slice %arg6[%mul3A_393] : memref<10000xi32, #tpu.memory_space<vmem>> -> memref<104xi32, #tpu.memory_space<vmem>>
      %dma_start3A_404 = arith.constant 0 : i32
      %dma_start3A_405 = arith.constant 0 : i32
      %dma_start3A_406 = tpu.memref_slice %arg5[%dma_start3A_404, %dma_start3A_405] : memref<10000x128xf32, #tpu.memory_space<vmem_shared>> -> memref<10000x128xf32, #tpu.memory_space<vmem_shared>>
      %dma_start3A_407 = tpu.memref_slice %arg8[%dma_start3A_395] : memref<3x!tpu.dma_semaphore, #tpu.memory_space<semaphore_mem>> -> memref<1x!tpu.dma_semaphore, #tpu.memory_space<semaphore_mem>>
      %dma_start3A_408 = tpu.memref_squeeze %dma_start3A_407 : memref<1x!tpu.dma_semaphore, #tpu.memory_space<semaphore_mem>> -> memref<!tpu.dma_semaphore, #tpu.memory_space<semaphore_mem>>
      tpu.enqueue_indirect_dma source(%dma_start3A_406 : memref<10000x128xf32, #tpu.memory_space<vmem_shared>>) target(%dma_start3A_402 : memref<104x128xf32, #tpu.memory_space<vmem>>) offsets(%dma_start3A_403 : memref<104xi32, #tpu.memory_space<vmem>>) semaphore(%dma_start3A_408 : memref<!tpu.dma_semaphore, #tpu.memory_space<semaphore_mem>>)
    }
    %scan3A_179 = arith.constant 30 : i32
    %dma_wait3A_180 = arith.constant 0 : i32
    %dma_wait3A_181 = arith.constant 0 : i32
    %dma_wait3A_182 = arith.constant 0 : i32
    %dma_wait3A_183 = arith.constant 0 : i32
    %dma_wait3A_184 = tpu.memref_slice %arg7[%dma_wait3A_180, %dma_wait3A_182, %dma_wait3A_183] : memref<3x104x128xf32, #tpu.memory_space<vmem>> -> memref<1x104x128xf32, #tpu.memory_space<vmem>>
    %dma_wait3A_185 = tpu.memref_squeeze %dma_wait3A_184 : memref<1x104x128xf32, #tpu.memory_space<vmem>> -> memref<104x128xf32, #tpu.memory_space<vmem>>
    %dma_wait3A_186 = arith.constant 0 : i32
    %dma_wait3A_187 = arith.constant 0 : i32
    %dma_wait3A_188 = tpu.memref_slice %dma_wait3A_185[%dma_wait3A_186, %dma_wait3A_187] : memref<104x128xf32, #tpu.memory_space<vmem>> -> memref<104x128xf32, #tpu.memory_space<vmem>>
    %dma_wait3A_189 = arith.constant 9672 : i32
    %dma_wait3A_190 = tpu.memref_slice %arg6[%dma_wait3A_189] : memref<10000xi32, #tpu.memory_space<vmem>> -> memref<104xi32, #tpu.memory_space<vmem>>
    %dma_wait3A_191 = arith.constant 0 : i32
    %dma_wait3A_192 = arith.constant 0 : i32
    %dma_wait3A_193 = tpu.memref_slice %arg5[%dma_wait3A_191, %dma_wait3A_192] : memref<10000x128xf32, #tpu.memory_space<vmem_shared>> -> memref<10000x128xf32, #tpu.memory_space<vmem_shared>>
    %dma_wait3A_194 = tpu.memref_slice %arg8[%dma_wait3A_181] : memref<3x!tpu.dma_semaphore, #tpu.memory_space<semaphore_mem>> -> memref<1x!tpu.dma_semaphore, #tpu.memory_space<semaphore_mem>>
    %dma_wait3A_195 = tpu.memref_squeeze %dma_wait3A_194 : memref<1x!tpu.dma_semaphore, #tpu.memory_space<semaphore_mem>> -> memref<!tpu.dma_semaphore, #tpu.memory_space<semaphore_mem>>
    tpu.wait_indirect_dma semaphore(%dma_wait3A_195 : memref<!tpu.dma_semaphore, #tpu.memory_space<semaphore_mem>>) src(%dma_wait3A_193 : memref<10000x128xf32, #tpu.memory_space<vmem_shared>>) dst(%dma_wait3A_188 : memref<104x128xf32, #tpu.memory_space<vmem>>)
    %add3A_196 = arith.constant 9672 : i32
    %add3A_197 = arith.addi %mul3A_2, %add3A_196 : i32
    %run_scoped3A_198 = arith.constant 0 : i32
    "tpu.region"() ({
      %run_scoped3A_272 = tpu.sem_alloc : memref<!tpu.dma_semaphore, #tpu.memory_space<semaphore_mem>>
      %dma_start3A_273 = arith.constant 0 : i32
      %dma_start3A_274 = arith.constant 0 : i32
      %dma_start3A_275 = tpu.memref_slice %arg7[%run_scoped3A_198, %dma_start3A_273, %dma_start3A_274] : memref<3x104x128xf32, #tpu.memory_space<vmem>> -> memref<1x104x128xf32, #tpu.memory_space<vmem>>
      %dma_start3A_276 = tpu.memref_squeeze %dma_start3A_275 : memref<1x104x128xf32, #tpu.memory_space<vmem>> -> memref<104x128xf32, #tpu.memory_space<vmem>>
      %dma_start3A_277 = arith.constant 0 : i32
      %dma_start3A_278 = arith.constant 0 : i32
      %dma_start3A_279 = tpu.memref_slice %dma_start3A_276[%dma_start3A_277, %dma_start3A_278] : memref<104x128xf32, #tpu.memory_space<vmem>> -> memref<104x128xf32, #tpu.memory_space<vmem>>
      %dma_start3A_280 = arith.constant 0 : i32
      %dma_start3A_281 = tpu.memref_slice %arg4[%add3A_197, %dma_start3A_280] : memref<320000x128xf32, #tpu.memory_space<hbm>> -> memref<104x128xf32, #tpu.memory_space<hbm>>
      %dma_start3A_282 = arith.constant 0 : i32
      %dma_start3A_283 = tpu.memref_slice %arg4[%add3A_197, %dma_start3A_282] : memref<320000x128xf32, #tpu.memory_space<hbm>> -> memref<104x128xf32, #tpu.memory_space<hbm>>
      %dma_start3A_284 = arith.constant 0 : i32
      %dma_start3A_285 = arith.constant 0 : i32
      %dma_start3A_286 = tpu.memref_slice %arg7[%run_scoped3A_198, %dma_start3A_284, %dma_start3A_285] : memref<3x104x128xf32, #tpu.memory_space<vmem>> -> memref<1x104x128xf32, #tpu.memory_space<vmem>>
      %dma_start3A_287 = tpu.memref_squeeze %dma_start3A_286 : memref<1x104x128xf32, #tpu.memory_space<vmem>> -> memref<104x128xf32, #tpu.memory_space<vmem>>
      %dma_start3A_288 = arith.constant 0 : i32
      %dma_start3A_289 = arith.constant 0 : i32
      %dma_start3A_290 = tpu.memref_slice %dma_start3A_287[%dma_start3A_288, %dma_start3A_289] : memref<104x128xf32, #tpu.memory_space<vmem>> -> memref<104x128xf32, #tpu.memory_space<vmem>>
      tpu.enqueue_dma source(%dma_start3A_290 : memref<104x128xf32, #tpu.memory_space<vmem>>) target(%dma_start3A_283 : memref<104x128xf32, #tpu.memory_space<hbm>>) target_semaphore(%run_scoped3A_272 : memref<!tpu.dma_semaphore, #tpu.memory_space<semaphore_mem>>)
      %dma_wait3A_291 = arith.constant 0 : i32
      %dma_wait3A_292 = arith.constant 0 : i32
      %dma_wait3A_293 = tpu.memref_slice %arg7[%run_scoped3A_198, %dma_wait3A_291, %dma_wait3A_292] : memref<3x104x128xf32, #tpu.memory_space<vmem>> -> memref<1x104x128xf32, #tpu.memory_space<vmem>>
      %dma_wait3A_294 = tpu.memref_squeeze %dma_wait3A_293 : memref<1x104x128xf32, #tpu.memory_space<vmem>> -> memref<104x128xf32, #tpu.memory_space<vmem>>
      %dma_wait3A_295 = arith.constant 0 : i32
      %dma_wait3A_296 = arith.constant 0 : i32
      %dma_wait3A_297 = tpu.memref_slice %dma_wait3A_294[%dma_wait3A_295, %dma_wait3A_296] : memref<104x128xf32, #tpu.memory_space<vmem>> -> memref<104x128xf32, #tpu.memory_space<vmem>>
      %dma_wait3A_298 = arith.constant 0 : i32
      %dma_wait3A_299 = tpu.memref_slice %arg4[%add3A_197, %dma_wait3A_298] : memref<320000x128xf32, #tpu.memory_space<hbm>> -> memref<104x128xf32, #tpu.memory_space<hbm>>
      %dma_wait3A_300 = arith.constant 0 : i32
      %dma_wait3A_301 = tpu.memref_slice %arg4[%add3A_197, %dma_wait3A_300] : memref<320000x128xf32, #tpu.memory_space<hbm>> -> memref<104x128xf32, #tpu.memory_space<hbm>>
      %dma_wait3A_302 = arith.constant 0 : i32
      %dma_wait3A_303 = arith.constant 0 : i32
      %dma_wait3A_304 = tpu.memref_slice %arg7[%run_scoped3A_198, %dma_wait3A_302, %dma_wait3A_303] : memref<3x104x128xf32, #tpu.memory_space<vmem>> -> memref<1x104x128xf32, #tpu.memory_space<vmem>>
      %dma_wait3A_305 = tpu.memref_squeeze %dma_wait3A_304 : memref<1x104x128xf32, #tpu.memory_space<vmem>> -> memref<104x128xf32, #tpu.memory_space<vmem>>
      %dma_wait3A_306 = arith.constant 0 : i32
      %dma_wait3A_307 = arith.constant 0 : i32
      %dma_wait3A_308 = tpu.memref_slice %dma_wait3A_305[%dma_wait3A_306, %dma_wait3A_307] : memref<104x128xf32, #tpu.memory_space<vmem>> -> memref<104x128xf32, #tpu.memory_space<vmem>>
      tpu.wait_dma2 semaphore(%run_scoped3A_272 : memref<!tpu.dma_semaphore, #tpu.memory_space<semaphore_mem>>) src(%dma_wait3A_308 : memref<104x128xf32, #tpu.memory_space<vmem>>) dst(%dma_wait3A_301 : memref<104x128xf32, #tpu.memory_space<hbm>>)
      tpu.yield
    }) : () -> ()
    %dma_start3A_199 = arith.constant 0 : i32
    %dma_start3A_200 = arith.constant 0 : i32
    %dma_start3A_201 = arith.constant 0 : i32
    %dma_start3A_202 = arith.constant 0 : i32
    %dma_start3A_203 = tpu.memref_slice %arg7[%dma_start3A_199, %dma_start3A_201, %dma_start3A_202] : memref<3x104x128xf32, #tpu.memory_space<vmem>> -> memref<1x104x128xf32, #tpu.memory_space<vmem>>
    %dma_start3A_204 = tpu.memref_squeeze %dma_start3A_203 : memref<1x104x128xf32, #tpu.memory_space<vmem>> -> memref<104x128xf32, #tpu.memory_space<vmem>>
    %dma_start3A_205 = arith.constant 0 : i32
    %dma_start3A_206 = arith.constant 0 : i32
    %dma_start3A_207 = tpu.memref_slice %dma_start3A_204[%dma_start3A_205, %dma_start3A_206] : memref<104x128xf32, #tpu.memory_space<vmem>> -> memref<16x128xf32, #tpu.memory_space<vmem>>
    %dma_start3A_208 = arith.constant 9984 : i32
    %dma_start3A_209 = tpu.memref_slice %arg6[%dma_start3A_208] : memref<10000xi32, #tpu.memory_space<vmem>> -> memref<16xi32, #tpu.memory_space<vmem>>
    %dma_start3A_210 = arith.constant 0 : i32
    %dma_start3A_211 = arith.constant 0 : i32
    %dma_start3A_212 = tpu.memref_slice %arg5[%dma_start3A_210, %dma_start3A_211] : memref<10000x128xf32, #tpu.memory_space<vmem_shared>> -> memref<10000x128xf32, #tpu.memory_space<vmem_shared>>
    %dma_start3A_213 = tpu.memref_slice %arg8[%dma_start3A_200] : memref<3x!tpu.dma_semaphore, #tpu.memory_space<semaphore_mem>> -> memref<1x!tpu.dma_semaphore, #tpu.memory_space<semaphore_mem>>
    %dma_start3A_214 = tpu.memref_squeeze %dma_start3A_213 : memref<1x!tpu.dma_semaphore, #tpu.memory_space<semaphore_mem>> -> memref<!tpu.dma_semaphore, #tpu.memory_space<semaphore_mem>>
    tpu.enqueue_indirect_dma source(%dma_start3A_212 : memref<10000x128xf32, #tpu.memory_space<vmem_shared>>) target(%dma_start3A_207 : memref<16x128xf32, #tpu.memory_space<vmem>>) offsets(%dma_start3A_209 : memref<16xi32, #tpu.memory_space<vmem>>) semaphore(%dma_start3A_214 : memref<!tpu.dma_semaphore, #tpu.memory_space<semaphore_mem>>)
    %dma_wait3A_215 = arith.constant 1 : i32
    %dma_wait3A_216 = arith.constant 1 : i32
    %dma_wait3A_217 = arith.constant 0 : i32
    %dma_wait3A_218 = arith.constant 0 : i32
    %dma_wait3A_219 = tpu.memref_slice %arg7[%dma_wait3A_215, %dma_wait3A_217, %dma_wait3A_218] : memref<3x104x128xf32, #tpu.memory_space<vmem>> -> memref<1x104x128xf32, #tpu.memory_space<vmem>>
    %dma_wait3A_220 = tpu.memref_squeeze %dma_wait3A_219 : memref<1x104x128xf32, #tpu.memory_space<vmem>> -> memref<104x128xf32, #tpu.memory_space<vmem>>
    %dma_wait3A_221 = arith.constant 0 : i32
    %dma_wait3A_222 = arith.constant 0 : i32
    %dma_wait3A_223 = tpu.memref_slice %dma_wait3A_220[%dma_wait3A_221, %dma_wait3A_222] : memref<104x128xf32, #tpu.memory_space<vmem>> -> memref<104x128xf32, #tpu.memory_space<vmem>>
    %dma_wait3A_224 = arith.constant 9776 : i32
    %dma_wait3A_225 = tpu.memref_slice %arg6[%dma_wait3A_224] : memref<10000xi32, #tpu.memory_space<vmem>> -> memref<104xi32, #tpu.memory_space<vmem>>
    %dma_wait3A_226 = arith.constant 0 : i32
    %dma_wait3A_227 = arith.constant 0 : i32
    %dma_wait3A_228 = tpu.memref_slice %arg5[%dma_wait3A_226, %dma_wait3A_227] : memref<10000x128xf32, #tpu.memory_space<vmem_shared>> -> memref<10000x128xf32, #tpu.memory_space<vmem_shared>>
    %dma_wait3A_229 = tpu.memref_slice %arg8[%dma_wait3A_216] : memref<3x!tpu.dma_semaphore, #tpu.memory_space<semaphore_mem>> -> memref<1x!tpu.dma_semaphore, #tpu.memory_space<semaphore_mem>>
    %dma_wait3A_230 = tpu.memref_squeeze %dma_wait3A_229 : memref<1x!tpu.dma_semaphore, #tpu.memory_space<semaphore_mem>> -> memref<!tpu.dma_semaphore, #tpu.memory_space<semaphore_mem>>
    tpu.wait_indirect_dma semaphore(%dma_wait3A_230 : memref<!tpu.dma_semaphore, #tpu.memory_space<semaphore_mem>>) src(%dma_wait3A_228 : memref<10000x128xf32, #tpu.memory_space<vmem_shared>>) dst(%dma_wait3A_223 : memref<104x128xf32, #tpu.memory_space<vmem>>)
    %add3A_231 = arith.constant 9776 : i32
    %add3A_232 = arith.addi %mul3A_2, %add3A_231 : i32
    %run_scoped3A_233 = arith.constant 1 : i32
    "tpu.region"() ({
      %run_scoped3A_272 = tpu.sem_alloc : memref<!tpu.dma_semaphore, #tpu.memory_space<semaphore_mem>>
      %dma_start3A_273 = arith.constant 0 : i32
      %dma_start3A_274 = arith.constant 0 : i32
      %dma_start3A_275 = tpu.memref_slice %arg7[%run_scoped3A_233, %dma_start3A_273, %dma_start3A_274] : memref<3x104x128xf32, #tpu.memory_space<vmem>> -> memref<1x104x128xf32, #tpu.memory_space<vmem>>
      %dma_start3A_276 = tpu.memref_squeeze %dma_start3A_275 : memref<1x104x128xf32, #tpu.memory_space<vmem>> -> memref<104x128xf32, #tpu.memory_space<vmem>>
      %dma_start3A_277 = arith.constant 0 : i32
      %dma_start3A_278 = arith.constant 0 : i32
      %dma_start3A_279 = tpu.memref_slice %dma_start3A_276[%dma_start3A_277, %dma_start3A_278] : memref<104x128xf32, #tpu.memory_space<vmem>> -> memref<104x128xf32, #tpu.memory_space<vmem>>
      %dma_start3A_280 = arith.constant 0 : i32
      %dma_start3A_281 = tpu.memref_slice %arg4[%add3A_232, %dma_start3A_280] : memref<320000x128xf32, #tpu.memory_space<hbm>> -> memref<104x128xf32, #tpu.memory_space<hbm>>
      %dma_start3A_282 = arith.constant 0 : i32
      %dma_start3A_283 = tpu.memref_slice %arg4[%add3A_232, %dma_start3A_282] : memref<320000x128xf32, #tpu.memory_space<hbm>> -> memref<104x128xf32, #tpu.memory_space<hbm>>
      %dma_start3A_284 = arith.constant 0 : i32
      %dma_start3A_285 = arith.constant 0 : i32
      %dma_start3A_286 = tpu.memref_slice %arg7[%run_scoped3A_233, %dma_start3A_284, %dma_start3A_285] : memref<3x104x128xf32, #tpu.memory_space<vmem>> -> memref<1x104x128xf32, #tpu.memory_space<vmem>>
      %dma_start3A_287 = tpu.memref_squeeze %dma_start3A_286 : memref<1x104x128xf32, #tpu.memory_space<vmem>> -> memref<104x128xf32, #tpu.memory_space<vmem>>
      %dma_start3A_288 = arith.constant 0 : i32
      %dma_start3A_289 = arith.constant 0 : i32
      %dma_start3A_290 = tpu.memref_slice %dma_start3A_287[%dma_start3A_288, %dma_start3A_289] : memref<104x128xf32, #tpu.memory_space<vmem>> -> memref<104x128xf32, #tpu.memory_space<vmem>>
      tpu.enqueue_dma source(%dma_start3A_290 : memref<104x128xf32, #tpu.memory_space<vmem>>) target(%dma_start3A_283 : memref<104x128xf32, #tpu.memory_space<hbm>>) target_semaphore(%run_scoped3A_272 : memref<!tpu.dma_semaphore, #tpu.memory_space<semaphore_mem>>)
      %dma_wait3A_291 = arith.constant 0 : i32
      %dma_wait3A_292 = arith.constant 0 : i32
      %dma_wait3A_293 = tpu.memref_slice %arg7[%run_scoped3A_233, %dma_wait3A_291, %dma_wait3A_292] : memref<3x104x128xf32, #tpu.memory_space<vmem>> -> memref<1x104x128xf32, #tpu.memory_space<vmem>>
      %dma_wait3A_294 = tpu.memref_squeeze %dma_wait3A_293 : memref<1x104x128xf32, #tpu.memory_space<vmem>> -> memref<104x128xf32, #tpu.memory_space<vmem>>
      %dma_wait3A_295 = arith.constant 0 : i32
      %dma_wait3A_296 = arith.constant 0 : i32
      %dma_wait3A_297 = tpu.memref_slice %dma_wait3A_294[%dma_wait3A_295, %dma_wait3A_296] : memref<104x128xf32, #tpu.memory_space<vmem>> -> memref<104x128xf32, #tpu.memory_space<vmem>>
      %dma_wait3A_298 = arith.constant 0 : i32
      %dma_wait3A_299 = tpu.memref_slice %arg4[%add3A_232, %dma_wait3A_298] : memref<320000x128xf32, #tpu.memory_space<hbm>> -> memref<104x128xf32, #tpu.memory_space<hbm>>
      %dma_wait3A_300 = arith.constant 0 : i32
      %dma_wait3A_301 = tpu.memref_slice %arg4[%add3A_232, %dma_wait3A_300] : memref<320000x128xf32, #tpu.memory_space<hbm>> -> memref<104x128xf32, #tpu.memory_space<hbm>>
      %dma_wait3A_302 = arith.constant 0 : i32
      %dma_wait3A_303 = arith.constant 0 : i32
      %dma_wait3A_304 = tpu.memref_slice %arg7[%run_scoped3A_233, %dma_wait3A_302, %dma_wait3A_303] : memref<3x104x128xf32, #tpu.memory_space<vmem>> -> memref<1x104x128xf32, #tpu.memory_space<vmem>>
      %dma_wait3A_305 = tpu.memref_squeeze %dma_wait3A_304 : memref<1x104x128xf32, #tpu.memory_space<vmem>> -> memref<104x128xf32, #tpu.memory_space<vmem>>
      %dma_wait3A_306 = arith.constant 0 : i32
      %dma_wait3A_307 = arith.constant 0 : i32
      %dma_wait3A_308 = tpu.memref_slice %dma_wait3A_305[%dma_wait3A_306, %dma_wait3A_307] : memref<104x128xf32, #tpu.memory_space<vmem>> -> memref<104x128xf32, #tpu.memory_space<vmem>>
      tpu.wait_dma2 semaphore(%run_scoped3A_272 : memref<!tpu.dma_semaphore, #tpu.memory_space<semaphore_mem>>) src(%dma_wait3A_308 : memref<104x128xf32, #tpu.memory_space<vmem>>) dst(%dma_wait3A_301 : memref<104x128xf32, #tpu.memory_space<hbm>>)
      tpu.yield
    }) : () -> ()
    %dma_wait3A_234 = arith.constant 2 : i32
    %dma_wait3A_235 = arith.constant 2 : i32
    %dma_wait3A_236 = arith.constant 0 : i32
    %dma_wait3A_237 = arith.constant 0 : i32
    %dma_wait3A_238 = tpu.memref_slice %arg7[%dma_wait3A_234, %dma_wait3A_236, %dma_wait3A_237] : memref<3x104x128xf32, #tpu.memory_space<vmem>> -> memref<1x104x128xf32, #tpu.memory_space<vmem>>
    %dma_wait3A_239 = tpu.memref_squeeze %dma_wait3A_238 : memref<1x104x128xf32, #tpu.memory_space<vmem>> -> memref<104x128xf32, #tpu.memory_space<vmem>>
    %dma_wait3A_240 = arith.constant 0 : i32
    %dma_wait3A_241 = arith.constant 0 : i32
    %dma_wait3A_242 = tpu.memref_slice %dma_wait3A_239[%dma_wait3A_240, %dma_wait3A_241] : memref<104x128xf32, #tpu.memory_space<vmem>> -> memref<104x128xf32, #tpu.memory_space<vmem>>
    %dma_wait3A_243 = arith.constant 9880 : i32
    %dma_wait3A_244 = tpu.memref_slice %arg6[%dma_wait3A_243] : memref<10000xi32, #tpu.memory_space<vmem>> -> memref<104xi32, #tpu.memory_space<vmem>>
    %dma_wait3A_245 = arith.constant 0 : i32
    %dma_wait3A_246 = arith.constant 0 : i32
    %dma_wait3A_247 = tpu.memref_slice %arg5[%dma_wait3A_245, %dma_wait3A_246] : memref<10000x128xf32, #tpu.memory_space<vmem_shared>> -> memref<10000x128xf32, #tpu.memory_space<vmem_shared>>
    %dma_wait3A_248 = tpu.memref_slice %arg8[%dma_wait3A_235] : memref<3x!tpu.dma_semaphore, #tpu.memory_space<semaphore_mem>> -> memref<1x!tpu.dma_semaphore, #tpu.memory_space<semaphore_mem>>
    %dma_wait3A_249 = tpu.memref_squeeze %dma_wait3A_248 : memref<1x!tpu.dma_semaphore, #tpu.memory_space<semaphore_mem>> -> memref<!tpu.dma_semaphore, #tpu.memory_space<semaphore_mem>>
    tpu.wait_indirect_dma semaphore(%dma_wait3A_249 : memref<!tpu.dma_semaphore, #tpu.memory_space<semaphore_mem>>) src(%dma_wait3A_247 : memref<10000x128xf32, #tpu.memory_space<vmem_shared>>) dst(%dma_wait3A_242 : memref<104x128xf32, #tpu.memory_space<vmem>>)
    %add3A_250 = arith.constant 9880 : i32
    %add3A_251 = arith.addi %mul3A_2, %add3A_250 : i32
    %run_scoped3A_252 = arith.constant 2 : i32
    "tpu.region"() ({
      %run_scoped3A_272 = tpu.sem_alloc : memref<!tpu.dma_semaphore, #tpu.memory_space<semaphore_mem>>
      %dma_start3A_273 = arith.constant 0 : i32
      %dma_start3A_274 = arith.constant 0 : i32
      %dma_start3A_275 = tpu.memref_slice %arg7[%run_scoped3A_252, %dma_start3A_273, %dma_start3A_274] : memref<3x104x128xf32, #tpu.memory_space<vmem>> -> memref<1x104x128xf32, #tpu.memory_space<vmem>>
      %dma_start3A_276 = tpu.memref_squeeze %dma_start3A_275 : memref<1x104x128xf32, #tpu.memory_space<vmem>> -> memref<104x128xf32, #tpu.memory_space<vmem>>
      %dma_start3A_277 = arith.constant 0 : i32
      %dma_start3A_278 = arith.constant 0 : i32
      %dma_start3A_279 = tpu.memref_slice %dma_start3A_276[%dma_start3A_277, %dma_start3A_278] : memref<104x128xf32, #tpu.memory_space<vmem>> -> memref<104x128xf32, #tpu.memory_space<vmem>>
      %dma_start3A_280 = arith.constant 0 : i32
      %dma_start3A_281 = tpu.memref_slice %arg4[%add3A_251, %dma_start3A_280] : memref<320000x128xf32, #tpu.memory_space<hbm>> -> memref<104x128xf32, #tpu.memory_space<hbm>>
      %dma_start3A_282 = arith.constant 0 : i32
      %dma_start3A_283 = tpu.memref_slice %arg4[%add3A_251, %dma_start3A_282] : memref<320000x128xf32, #tpu.memory_space<hbm>> -> memref<104x128xf32, #tpu.memory_space<hbm>>
      %dma_start3A_284 = arith.constant 0 : i32
      %dma_start3A_285 = arith.constant 0 : i32
      %dma_start3A_286 = tpu.memref_slice %arg7[%run_scoped3A_252, %dma_start3A_284, %dma_start3A_285] : memref<3x104x128xf32, #tpu.memory_space<vmem>> -> memref<1x104x128xf32, #tpu.memory_space<vmem>>
      %dma_start3A_287 = tpu.memref_squeeze %dma_start3A_286 : memref<1x104x128xf32, #tpu.memory_space<vmem>> -> memref<104x128xf32, #tpu.memory_space<vmem>>
      %dma_start3A_288 = arith.constant 0 : i32
      %dma_start3A_289 = arith.constant 0 : i32
      %dma_start3A_290 = tpu.memref_slice %dma_start3A_287[%dma_start3A_288, %dma_start3A_289] : memref<104x128xf32, #tpu.memory_space<vmem>> -> memref<104x128xf32, #tpu.memory_space<vmem>>
      tpu.enqueue_dma source(%dma_start3A_290 : memref<104x128xf32, #tpu.memory_space<vmem>>) target(%dma_start3A_283 : memref<104x128xf32, #tpu.memory_space<hbm>>) target_semaphore(%run_scoped3A_272 : memref<!tpu.dma_semaphore, #tpu.memory_space<semaphore_mem>>)
      %dma_wait3A_291 = arith.constant 0 : i32
      %dma_wait3A_292 = arith.constant 0 : i32
      %dma_wait3A_293 = tpu.memref_slice %arg7[%run_scoped3A_252, %dma_wait3A_291, %dma_wait3A_292] : memref<3x104x128xf32, #tpu.memory_space<vmem>> -> memref<1x104x128xf32, #tpu.memory_space<vmem>>
      %dma_wait3A_294 = tpu.memref_squeeze %dma_wait3A_293 : memref<1x104x128xf32, #tpu.memory_space<vmem>> -> memref<104x128xf32, #tpu.memory_space<vmem>>
      %dma_wait3A_295 = arith.constant 0 : i32
      %dma_wait3A_296 = arith.constant 0 : i32
      %dma_wait3A_297 = tpu.memref_slice %dma_wait3A_294[%dma_wait3A_295, %dma_wait3A_296] : memref<104x128xf32, #tpu.memory_space<vmem>> -> memref<104x128xf32, #tpu.memory_space<vmem>>
      %dma_wait3A_298 = arith.constant 0 : i32
      %dma_wait3A_299 = tpu.memref_slice %arg4[%add3A_251, %dma_wait3A_298] : memref<320000x128xf32, #tpu.memory_space<hbm>> -> memref<104x128xf32, #tpu.memory_space<hbm>>
      %dma_wait3A_300 = arith.constant 0 : i32
      %dma_wait3A_301 = tpu.memref_slice %arg4[%add3A_251, %dma_wait3A_300] : memref<320000x128xf32, #tpu.memory_space<hbm>> -> memref<104x128xf32, #tpu.memory_space<hbm>>
      %dma_wait3A_302 = arith.constant 0 : i32
      %dma_wait3A_303 = arith.constant 0 : i32
      %dma_wait3A_304 = tpu.memref_slice %arg7[%run_scoped3A_252, %dma_wait3A_302, %dma_wait3A_303] : memref<3x104x128xf32, #tpu.memory_space<vmem>> -> memref<1x104x128xf32, #tpu.memory_space<vmem>>
      %dma_wait3A_305 = tpu.memref_squeeze %dma_wait3A_304 : memref<1x104x128xf32, #tpu.memory_space<vmem>> -> memref<104x128xf32, #tpu.memory_space<vmem>>
      %dma_wait3A_306 = arith.constant 0 : i32
      %dma_wait3A_307 = arith.constant 0 : i32
      %dma_wait3A_308 = tpu.memref_slice %dma_wait3A_305[%dma_wait3A_306, %dma_wait3A_307] : memref<104x128xf32, #tpu.memory_space<vmem>> -> memref<104x128xf32, #tpu.memory_space<vmem>>
      tpu.wait_dma2 semaphore(%run_scoped3A_272 : memref<!tpu.dma_semaphore, #tpu.memory_space<semaphore_mem>>) src(%dma_wait3A_308 : memref<104x128xf32, #tpu.memory_space<vmem>>) dst(%dma_wait3A_301 : memref<104x128xf32, #tpu.memory_space<hbm>>)
      tpu.yield
    }) : () -> ()
    %dma_wait3A_253 = arith.constant 0 : i32
    %dma_wait3A_254 = arith.constant 0 : i32
    %dma_wait3A_255 = arith.constant 0 : i32
    %dma_wait3A_256 = arith.constant 0 : i32
    %dma_wait3A_257 = tpu.memref_slice %arg7[%dma_wait3A_253, %dma_wait3A_255, %dma_wait3A_256] : memref<3x104x128xf32, #tpu.memory_space<vmem>> -> memref<1x104x128xf32, #tpu.memory_space<vmem>>
    %dma_wait3A_258 = tpu.memref_squeeze %dma_wait3A_257 : memref<1x104x128xf32, #tpu.memory_space<vmem>> -> memref<104x128xf32, #tpu.memory_space<vmem>>
    %dma_wait3A_259 = arith.constant 0 : i32
    %dma_wait3A_260 = arith.constant 0 : i32
    %dma_wait3A_261 = tpu.memref_slice %dma_wait3A_258[%dma_wait3A_259, %dma_wait3A_260] : memref<104x128xf32, #tpu.memory_space<vmem>> -> memref<16x128xf32, #tpu.memory_space<vmem>>
    %dma_wait3A_262 = arith.constant 9984 : i32
    %dma_wait3A_263 = tpu.memref_slice %arg6[%dma_wait3A_262] : memref<10000xi32, #tpu.memory_space<vmem>> -> memref<16xi32, #tpu.memory_space<vmem>>
    %dma_wait3A_264 = arith.constant 0 : i32
    %dma_wait3A_265 = arith.constant 0 : i32
    %dma_wait3A_266 = tpu.memref_slice %arg5[%dma_wait3A_264, %dma_wait3A_265] : memref<10000x128xf32, #tpu.memory_space<vmem_shared>> -> memref<10000x128xf32, #tpu.memory_space<vmem_shared>>
    %dma_wait3A_267 = tpu.memref_slice %arg8[%dma_wait3A_254] : memref<3x!tpu.dma_semaphore, #tpu.memory_space<semaphore_mem>> -> memref<1x!tpu.dma_semaphore, #tpu.memory_space<semaphore_mem>>
    %dma_wait3A_268 = tpu.memref_squeeze %dma_wait3A_267 : memref<1x!tpu.dma_semaphore, #tpu.memory_space<semaphore_mem>> -> memref<!tpu.dma_semaphore, #tpu.memory_space<semaphore_mem>>
    tpu.wait_indirect_dma semaphore(%dma_wait3A_268 : memref<!tpu.dma_semaphore, #tpu.memory_space<semaphore_mem>>) src(%dma_wait3A_266 : memref<10000x128xf32, #tpu.memory_space<vmem_shared>>) dst(%dma_wait3A_261 : memref<16x128xf32, #tpu.memory_space<vmem>>)
    %add3A_269 = arith.constant 9984 : i32
    %add3A_270 = arith.addi %mul3A_2, %add3A_269 : i32
    %run_scoped3A_271 = arith.constant 0 : i32
    "tpu.region"() ({
      %run_scoped3A_272 = tpu.sem_alloc : memref<!tpu.dma_semaphore, #tpu.memory_space<semaphore_mem>>
      %dma_start3A_273 = arith.constant 0 : i32
      %dma_start3A_274 = arith.constant 0 : i32
      %dma_start3A_275 = tpu.memref_slice %arg7[%run_scoped3A_271, %dma_start3A_273, %dma_start3A_274] : memref<3x104x128xf32, #tpu.memory_space<vmem>> -> memref<1x104x128xf32, #tpu.memory_space<vmem>>
      %dma_start3A_276 = tpu.memref_squeeze %dma_start3A_275 : memref<1x104x128xf32, #tpu.memory_space<vmem>> -> memref<104x128xf32, #tpu.memory_space<vmem>>
      %dma_start3A_277 = arith.constant 0 : i32
      %dma_start3A_278 = arith.constant 0 : i32
      %dma_start3A_279 = tpu.memref_slice %dma_start3A_276[%dma_start3A_277, %dma_start3A_278] : memref<104x128xf32, #tpu.memory_space<vmem>> -> memref<16x128xf32, #tpu.memory_space<vmem>>
      %dma_start3A_280 = arith.constant 0 : i32
      %dma_start3A_281 = tpu.memref_slice %arg4[%add3A_270, %dma_start3A_280] : memref<320000x128xf32, #tpu.memory_space<hbm>> -> memref<16x128xf32, #tpu.memory_space<hbm>>
      %dma_start3A_282 = arith.constant 0 : i32
      %dma_start3A_283 = tpu.memref_slice %arg4[%add3A_270, %dma_start3A_282] : memref<320000x128xf32, #tpu.memory_space<hbm>> -> memref<16x128xf32, #tpu.memory_space<hbm>>
      %dma_start3A_284 = arith.constant 0 : i32
      %dma_start3A_285 = arith.constant 0 : i32
      %dma_start3A_286 = tpu.memref_slice %arg7[%run_scoped3A_271, %dma_start3A_284, %dma_start3A_285] : memref<3x104x128xf32, #tpu.memory_space<vmem>> -> memref<1x104x128xf32, #tpu.memory_space<vmem>>
      %dma_start3A_287 = tpu.memref_squeeze %dma_start3A_286 : memref<1x104x128xf32, #tpu.memory_space<vmem>> -> memref<104x128xf32, #tpu.memory_space<vmem>>
      %dma_start3A_288 = arith.constant 0 : i32
      %dma_start3A_289 = arith.constant 0 : i32
      %dma_start3A_290 = tpu.memref_slice %dma_start3A_287[%dma_start3A_288, %dma_start3A_289] : memref<104x128xf32, #tpu.memory_space<vmem>> -> memref<16x128xf32, #tpu.memory_space<vmem>>
      tpu.enqueue_dma source(%dma_start3A_290 : memref<16x128xf32, #tpu.memory_space<vmem>>) target(%dma_start3A_283 : memref<16x128xf32, #tpu.memory_space<hbm>>) target_semaphore(%run_scoped3A_272 : memref<!tpu.dma_semaphore, #tpu.memory_space<semaphore_mem>>)
      %dma_wait3A_291 = arith.constant 0 : i32
      %dma_wait3A_292 = arith.constant 0 : i32
      %dma_wait3A_293 = tpu.memref_slice %arg7[%run_scoped3A_271, %dma_wait3A_291, %dma_wait3A_292] : memref<3x104x128xf32, #tpu.memory_space<vmem>> -> memref<1x104x128xf32, #tpu.memory_space<vmem>>
      %dma_wait3A_294 = tpu.memref_squeeze %dma_wait3A_293 : memref<1x104x128xf32, #tpu.memory_space<vmem>> -> memref<104x128xf32, #tpu.memory_space<vmem>>
      %dma_wait3A_295 = arith.constant 0 : i32
      %dma_wait3A_296 = arith.constant 0 : i32
      %dma_wait3A_297 = tpu.memref_slice %dma_wait3A_294[%dma_wait3A_295, %dma_wait3A_296] : memref<104x128xf32, #tpu.memory_space<vmem>> -> memref<16x128xf32, #tpu.memory_space<vmem>>
      %dma_wait3A_298 = arith.constant 0 : i32
      %dma_wait3A_299 = tpu.memref_slice %arg4[%add3A_270, %dma_wait3A_298] : memref<320000x128xf32, #tpu.memory_space<hbm>> -> memref<16x128xf32, #tpu.memory_space<hbm>>
      %dma_wait3A_300 = arith.constant 0 : i32
      %dma_wait3A_301 = tpu.memref_slice %arg4[%add3A_270, %dma_wait3A_300] : memref<320000x128xf32, #tpu.memory_space<hbm>> -> memref<16x128xf32, #tpu.memory_space<hbm>>
      %dma_wait3A_302 = arith.constant 0 : i32
      %dma_wait3A_303 = arith.constant 0 : i32
      %dma_wait3A_304 = tpu.memref_slice %arg7[%run_scoped3A_271, %dma_wait3A_302, %dma_wait3A_303] : memref<3x104x128xf32, #tpu.memory_space<vmem>> -> memref<1x104x128xf32, #tpu.memory_space<vmem>>
      %dma_wait3A_305 = tpu.memref_squeeze %dma_wait3A_304 : memref<1x104x128xf32, #tpu.memory_space<vmem>> -> memref<104x128xf32, #tpu.memory_space<vmem>>
      %dma_wait3A_306 = arith.constant 0 : i32
      %dma_wait3A_307 = arith.constant 0 : i32
      %dma_wait3A_308 = tpu.memref_slice %dma_wait3A_305[%dma_wait3A_306, %dma_wait3A_307] : memref<104x128xf32, #tpu.memory_space<vmem>> -> memref<16x128xf32, #tpu.memory_space<vmem>>
      tpu.wait_dma2 semaphore(%run_scoped3A_272 : memref<!tpu.dma_semaphore, #tpu.memory_space<semaphore_mem>>) src(%dma_wait3A_308 : memref<16x128xf32, #tpu.memory_space<vmem>>) dst(%dma_wait3A_301 : memref<16x128xf32, #tpu.memory_space<hbm>>)
      tpu.yield
    }) : () -> ()
    return
  }
}

</mosaic_0001>

<sc_bundles>
// kernel: _gather.3.cloned.1.call-start
scs
__scs_entry_jumppad:
0x0: {  	(pc) =	sbr.rel $0x88, $3  }
0x1: {  	(tag) =	ssettag $0x0;
	lr =	simm.s32 $0x1  }
0x2: {  	[smem:$0x3F9F] =	sst lr;
	_ =	strace $0xD0000000  }
0x3: {  	_ = 	snop  }
0x4: {  	_ = 	snop  }
0x5: {  	_ = 	snop  }
0x6: {  	_ = 	snop  }
0x7: {  	_ = 	snop  }
__scs_overlays_trampoline_lowered:
0x8: {  	[smem:$0x3FAE] =	sst s0  }
0x9: {  	[smem:$0x3FAF] =	sst s1  }
0xa: {  	[smem:$0x3FB0] =	sst s2  }
0xb: {  	[smem:$0x3FB1] =	sst s3  }
0xc: {  	[smem:$0x3FB2] =	sst s4  }
0xd: {  	[smem:$0x3FB3] =	sst s5  }
0xe: {  	[smem:$0x3FB4] =	sst s6  }
0xf: {  	[smem:$0x3FB5] =	sst s7  }
0x10: {  	[smem:$0x3FB6] =	sst s8  }
0x11: {  	[smem:$0x3FB7] =	sst s9;
	s0 =	simm.s32 @!p0 $0x0  }
0x12: {  	s1 =	sld [smem:$0x3F9D];
	s0 =	simm.s32 @p0 $0x1  }
0x13: {  	[smem:$0x3FB8] =	sst s0;
	s0 =	simm.s32 @!p1 $0x0  }
0x14: {  	s2 =	sld [smem:$0x3F9C];
	s0 =	simm.s32 @p1 $0x1  }
0x15: {  	[smem:$0x3FB9] =	sst s0;
	s0 =	simm.s32 @!p2 $0x0  }
0x16: {  	s3 =	sld [smem:$0x3FDB];
	s0 =	simm.s32 @p2 $0x1  }
0x17: {  	s4 =	simm.s32 $0x1BF5;
	[smem:$0x3FBB] =	sst s0  }
0x18: {  	s0 =	sld [smem:$0x3F9E];
	_ =	swait.ge [sflag:s4], $0x0  }
0x19: {  	s7 =	sld [smem:$0x3F9F]  }
0x1a: {  	s8 =	sadd.s32 $0xFFFFE003, lr  }
0x1b: {  	s9 =	sadd.s32 $0xFFFFFEF7, lr;
	s5 =	simm.s32 $0xFFFFFFFF;
	p2 =	slt.u32 s8, $0xFFFFF086  }
0x1c: {  	p1 =	slt.u32 s9, $0xF7A;
	s5 =	simm.s32 @!p2 $0x0  }
0x1d: {  	s5 =	simm.s32 @p1 $0x1;
	p0 =	seq.s32 s7, s2  }
0x1e: {  	s7 =	smul.u32 @!p0 $0xF7A, s2;
	p2 =	seq.s32 @!p0 s5, $0x0  }
0x1f: {  	s9 =	smul.u32 $0xF7A, s1;
	s8 =	simm.s32 @!p0 $0x1BF5;
	p2 =	por !p2, p0  }
0x20: {  	[sflag:s8] =	ssyncset.s32 @!p0 $0xFFFFF086;
	s6 =	sadd.s32 @!p0 s3, s7;
	s7 =	simm.s32 @!p0 $0x108  }
0x21: {  	s3 =	sadd.s32 s3, s9;
	s6 =	sadd.s32 @!p0 $0x88, s6;
	s7 =	simm.s32 @p2 $0x1082  }
0x22: {  	[simem:s7], [sflag:s8] =	dma.local @!p0 [hbm:s6], $0xF7A  }
0x23: {  	s9 =	sor.u32 $0xD0000000, s2;
	s6 =	simm.s32 $0x108;
	_ =	swait.ge @!p0 [sflag:s8], $0x0  }
0x24: {  	s3 =	sadd.s32 $0x88, s3;
	s6 =	simm.s32 @!p1 $0x1082;
	[sflag:s4] =	ssyncset.s32 $0xFFFFF086  }
0x25: {  	[simem:s6], [sflag:s4] =	dma.local [hbm:s3], $0xF7A  }
0x26: {  	[smem:$0x3F9F] =	sst s1;
	(tag) =	ssettag s2;
	_ =	strace s9  }
0x27: {  	s1 =	sld [smem:$0x3FAF]  }
0x28: {  	s2 =	sld [smem:$0x3FB0]  }
0x29: {  	s4 =	sld [smem:$0x3FB2]  }
0x2a: {  	p0 =	seq.s32 s5, $0x0;
	s5 =	sld [smem:$0x3FB3]  }
0x2b: {  	s6 =	sld [smem:$0x3FB4]  }
0x2c: {  	s7 =	sld [smem:$0x3FB5]  }
0x2d: {  	s3 =	simm.s32 $0x108;
	s8 =	sld [smem:$0x3FB6]  }
0x2e: {  	s3 =	simm.s32 @!p0 $0x1082;
	s9 =	sld [smem:$0x3FB7]  }
0x2f: {  	lr =	sadd.s32 s0, s3;
	s0 =	sld [smem:$0x3FAE]  }
0x30: {  	s3 =	sld [smem:$0x3FB1]  }
0x31: {  	[smem:$0x3FBA] =	sst s10  }
0x32: {  	s10 =	sld [smem:$0x3FB8];
	_ =	sdelay $0x3  }
0x33: {  	p0 =	seq.s32 s10, $0x1;
	s10 =	sld [smem:$0x3FBA];
	_ =	sdelay $0x3  }
0x34: {  	[smem:$0x3FBA] =	sst s10  }
0x35: {  	s10 =	sld [smem:$0x3FB9];
	_ =	sdelay $0x3  }
0x36: {  	p1 =	seq.s32 s10, $0x1;
	s10 =	sld [smem:$0x3FBA];
	_ =	sdelay $0x3  }
0x37: {  	[smem:$0x3FBA] =	sst s10  }
0x38: {  	s10 =	sld [smem:$0x3FBB]  }
0x39: {  	_ = 	snop;
	(pc) =	sbr.ind lr, $3  }
0x3a: {  	_ = 	snop  }
0x3b: {  	_ = 	snop  }
0x3c: {  	p2 =	seq.s32 s10, $0x1;
	s10 =	sld [smem:$0x3FBA]  }
0x3d: {  	_ =	shalt  }
0x3e: {  	_ =	shalt  }
0x3f: {  	_ =	shalt  }
0x40: {  	_ =	shalt  }
0x41: {  	_ =	shalt  }
0x42: {  	_ =	shalt  }
0x43: {  	_ =	shalt  }
0x44: {  	_ =	shalt  }
0x45: {  	_ =	shalt  }
0x46: {  	_ =	shalt  }
0x47: {  	_ =	shalt  }
0x48: {  	_ =	shalt  }
0x49: {  	_ =	shalt  }
0x4a: {  	_ =	shalt  }
0x4b: {  	_ =	shalt  }
0x4c: {  	_ =	shalt  }
0x4d: {  	_ =	shalt  }
0x4e: {  	_ =	shalt  }
0x4f: {  	_ =	shalt  }
0x50: {  	_ =	shalt  }
0x51: {  	_ =	shalt  }
0x52: {  	_ =	shalt  }
0x53: {  	_ =	shalt  }
0x54: {  	_ =	shalt  }
0x55: {  	_ =	shalt  }
0x56: {  	_ =	shalt  }
0x57: {  	_ =	shalt  }
0x58: {  	_ =	shalt  }
0x59: {  	_ =	shalt  }
0x5a: {  	_ =	shalt  }
0x5b: {  	_ =	shalt  }
0x5c: {  	_ =	shalt  }
0x5d: {  	_ =	shalt  }
0x5e: {  	_ =	shalt  }
0x5f: {  	_ =	shalt  }
0x60: {  	_ =	shalt  }
0x61: {  	_ =	shalt  }
0x62: {  	_ =	shalt  }
0x63: {  	_ =	shalt  }
0x64: {  	_ =	shalt  }
0x65: {  	_ =	shalt  }
0x66: {  	_ =	shalt  }
0x67: {  	_ =	shalt  }
0x68: {  	_ =	shalt  }
0x69: {  	_ =	shalt  }
0x6a: {  	_ =	shalt  }
0x6b: {  	_ =	shalt  }
0x6c: {  	_ =	shalt  }
0x6d: {  	_ =	shalt  }
0x6e: {  	_ =	shalt  }
0x6f: {  	_ =	shalt  }
0x70: {  	_ =	shalt  }
0x71: {  	_ =	shalt  }
0x72: {  	_ =	shalt  }
0x73: {  	_ =	shalt  }
0x74: {  	_ =	shalt  }
0x75: {  	_ =	shalt  }
0x76: {  	_ =	shalt  }
0x77: {  	_ =	shalt  }
0x78: {  	_ =	shalt  }
0x79: {  	_ =	shalt  }
0x7a: {  	_ =	shalt  }
0x7b: {  	_ =	shalt  }
0x7c: {  	_ =	shalt  }
0x7d: {  	_ =	shalt  }
0x7e: {  	_ =	shalt  }
0x7f: {  	_ =	shalt  }
0x80: {  	_ =	shalt  }
0x81: {  	_ =	shalt  }
0x82: {  	_ =	shalt  }
0x83: {  	_ =	shalt  }
0x84: {  	_ =	shalt  }
0x85: {  	_ =	shalt  }
0x86: {  	_ =	shalt  }
0x87: {  	_ =	shalt  }
.Lfunc_end0:
.L_simem_size_0:
called_computation_lowered:
.L_overlay_start_0:
0x88: {  	s2 =	sld [smem:$0x3FD9]  }
0x89: {  	s3 =	sld [smem:$0x3FFE];
	_ =	sdelay $0x1  }
0x8a: {  	s1 =	srdreg.scid  }
0x8b: {  	s0 =	sand.u32 $0x1, s1  }
0x8c: {  	s18 =	sshll.u32 s0, $0xA;
	s2 =	sadd.s32 s3, s2  }
0x8d: {  	s2 =	sadd.s32 s2, s18  }
0x8e: {  	[smem:$0x3FC6] =	sst s2  }
0x8f: {  	_ = 	snop  }
0x90: {  	s2 =	sld [smem:$0x3FC9]  }
0x91: {  	s19 =	sld [smem:$0x3FC8]  }
0x92: {  	s4 =	sld [smem:$0x3FD0];
	(tm) =	ssettm $0x1  }
0x93: {  	s5 =	sld [smem:$0x3FFB];
	_ =	sdelay $0x3  }
0x94: {  	_ =	strace s5  }
0x95: {  	s5 =	sld [smem:$0x3FFC];
	_ =	sdelay $0x3  }
0x96: {  	_ =	strace s5  }
0x97: {  	s5 =	sld [smem:$0x3FFD];
	_ =	sdelay $0x3  }
0x98: {  	_ =	strace s5  }
0x99: {  	_ =	strace $0x8FFFFFFF  }
0x9a: {  	s20 =	sld [smem:$0x3FDB];
	_ =	sdelay $0x1  }
0x9b: {  	s6 =	simm.s32 $_scs_section_size  }
0x9c: {  	s7 =	simm.s32 $_size__tile_overlayer_lowered;
	s8 =	simm.s32 $_tile_overlayer_lowered  }
0x9d: {  	s23 =	simm.s32 $0x1BFF;
	s22 =	sshll.u32 s8, $0x1;
	s5 =	sadd.s32 s6, s20  }
0x9e: {  	s9 =	simm.s32 $0x0;
	s21 =	sshll.u32 s7, $0x1;
	s7 =	sadd.s32 s22, s5  }
0x9f: {  	[timem:s9], [sflag:s23] =	dma.local [hbm:s7], s21  }
0xa0: {  	_ =	swait.ge [sflag:s23], s21  }
0xa1: {  	s6 =	ssub.s32 $0x0, s21;
	[sflag:s23] =	ssyncset.done $0x0  }
0xa2: {  	[sflag:s23] =	ssyncadd.s32 s6;
	_ =	sdelay $0x1  }
0xa3: {  	s24 =	simm.s32 $0x1B8B  }
0xa4: {  	_ =	swait.ge [sflag:s24], $0x1  }
0xa5: {  	[sflag:s24] =	ssyncset.done $0x0  }
0xa6: {  	s25 =	simm.s32 $0x1B8E;
	[sflag:s24] =	ssyncadd.s32 $0xFFFFFFFF  }
0xa7: {  	s26 =	simm.s32 $execute0_lowered;
	[smem:$0x3FD2] =	sst s25  }
0xa8: {  	s6 =	sshll.u32 s26, $0x1;
	_ =	strace $0x80000046;
	[dreg:$0x1] =	wrdreg $0xFFFFFFFF  }
0xa9: {  	s28 =	simm.s32 $_size_execute0_lowered;
	s5 =	sadd.s32 s5, s6;
	[dreg:$0x0] =	wrdreg $0x0  }
0xaa: {  	s6 =	sshll.u32 s28, $0x1;
	[dreg:$0x2] =	wrdreg s5  }
0xab: {  	[dreg:$0x3] =	wrdreg s6  }
0xac: {  	[dreg:$0x4] =	wrdreg $0xC0  }
0xad: {  	_ =	task [dreg:s9], $0x5FFFF  }
0xae: {  	[dreg:$0x1] =	wrdreg $0xFFFFFFFF  }
0xaf: {  	[dreg:$0x0] =	wrdreg $0x60  }
0xb0: {  	[dreg:$0x2] =	wrdreg s2  }
0xb1: {  	[dreg:$0x3] =	wrdreg s19  }
0xb2: {  	[dreg:$0x4] =	wrdreg s4  }
0xb3: {  	[dreg:$0x5] =	wrdreg $0x0  }
0xb4: {  	[dreg:$0x6] =	wrdreg $0x9  }
0xb5: {  	_ =	task.clear_ibuf [dreg:s9], $0x7FFFF;
	_ =	strace $0x90000046  }
0xb6: {  	s29 =	simm.s32 $0x9;
	_ =	strace $0x80000048  }
0xb7: {  	_ =	swait.ge [sflag:s29], $0x1  }
0xb8: {  	[sflag:s29] =	ssyncadd.s32 $0xFFFFFFFF  }
0xb9: {  	_ =	strace $0x90000048  }
0xba: {  	_ =	sfence  }
0xbb: {  	s30 =	sld [smem:$0x0];
	_ =	sdelay $0x2  }
0xbc: {  	s31 =	sshll.u32 s1, $0xD;
	s1 =	sshrl.u32 s1, $0x2  }
0xbd: {  	s3 =	sand.u32 $0x4000, s31;
	s1 =	sadd.s32 s1, s30  }
0xbe: {  	s0 =	sor.u32 s3, s0;
	s1 =	sshll.u32 s1, $0x11  }
0xbf: {  	s0 =	sor.u32 s1, s0  }
0xc0: {  	s0 =	sadd.s32 $0x8F2B, s0  }
0xc1: {  	[sflag:s0] =	ssyncadd.remote.s32 $0x1  }
0xc2: {  	_ =	sfence.sel $0xFFFF  }
0xc3: {  	[dreg:$0x0] =	wrdreg $0xFFFFFFFF;
	(pc) =	sbr.abs _section_cstart, $3  }
0xc4: {  	[dreg:$0x1] =	wrdreg $0xFFFFFFFF  }
0xc5: {  	_ =	task.clear_ibuf [dreg:s9], $0x2FFFF;
	_ =	strace $0x9FFFFFFF  }
0xc6: {  	(tm) =	ssettm $0x7FFFFFFF  }
0xc7: {  	_ =	shalt  }
tec
execute0_lowered:
.L_overlay_start_1:
0x0: {  	(tag) =	ssettag $0x1  }
0x1: {  	s1 =	rddreg [dreg:$0x0]  }
0x2: {  	s0 =	rddreg [dreg:$0x1]  }
0x3: {  	s12 =	rddreg [dreg:$0x2]  }
0x4: {  	s2 =	rddreg [dreg:$0x3];
	s3 =	simm.s32 $0x0  }
0x5: {  	s4 =	srdreg.scid;
	s17 =	stileid.u32;
	s20 =	simm.s32 $0x1  }
0x6: {  	s21 =	simm.s32 $0x16000;
	s22 =	simm.s32 $0x7;
	s29 =	simm.s32 $0x3  }
0x7: {  	s30 =	simm.s32 $0x1C800;
	[smem:$0x7FF] =	sst s3;
	s5 =	smul.u32 $0x4E000, s17  }
0x8: {  	s10 =	sand.u32 $0x1, s4;
	s23 =	sshll.u32 s17, $0x1;
	s25 =	smul.u32 $0x2700, s17  }
0x9: {  	s26 =	sshll.u32 s17, $0x6;
	s13 =	smul.u32 $0x4E200, s17;
	p0 =	sne.s32 s17, $0x0  }
0xa: {  	_ =	strace $0x80000047;
	s7 =	sor.u32 s10, s23;
	s16 =	smul.u32 $0x27100, s10  }
0xb: {  	s6 =	ssub.s32 $0x2, s10;
	s23 =	simm.s32 $0x68;
	s8 =	smul.u32 $0x2710, s7  }
0xc: {  	s24 =	sshrl.u32 s6, $0x1;
	s5 =	sshrl.u32 s5, $0x2;
	s31 =	smul.u32 $0x138800, s7  }
0xd: {  	s4 =	sadd.s32 s1, s25;
	s9 =	smul.u32 $0x27100, s7;
	s7 =	sadd.s32 $0x27000, s1  }
0xe: {  	s19 =	sadd.s32 s13, s12;
	s25 =	simm.s32 $0x2;
	s15 =	ssub.s32 s6, s24  }
0xf: {  	s18 =	sadd.s32 s5, s2;
	s5 =	sor.u32 $0x1C04, s26;
	s16 =	sadd.s32 s16, s19  }
0x10: {  	s26 =	simm.s32 $0x19400;
	s24 =	simm.s32 $0x0;
	s28 =	sshrl.u32 s8, $0x3  }
0x11: {  	s8 =	sshrl.u32 s31, $0x3;
	s15 =	smax.u32 s15, $0x1;
	s16 =	sadd.s32 $0x2080, s16  }
0x12: {  	s17 =	sshrl.u32 s18, $0x3;
	s6 =	sadd.s32 s0, s28;
	s14 =	sadd.s32 s12, s8  }
0x13: {  	s0 =	sadd.s32 $0x138000, s2;
	s8 =	sadd.s32 s12, s9;
	s9 =	sadd.s32 $0x680, s14  }
0x14: {  	s10 =	sadd.s32 $0xD00, s14;
	s11 =	sadd.s32 $0x25C80, s14;
	s12 =	sadd.s32 $0x26300, s14  }
0x15: {  	s13 =	sadd.s32 $0x26980, s14;
	s14 =	sadd.s32 $0x27000, s14;
	s19 =	sshrl.u32 @!p0 s0, $0x3  }
.LBB2_1:
0x16: {  	[spmem:s17], [sflag:s5] =	dma.local [hbm:s4], $0x2700  }
0x17: {  	s0 =	simm.s32 $0x13880  }
0x18: {  	[tilespmem:s0], [sflag:$0x5] =	stream.linear.gather [hbm4b:s6+s3], $0x2710, $0x38;
	[tilespmem:$0x1FC00] =	vst v63  }
0x19: {  	s0 =	simm.s32 @p0 $0x5  }
0x1a: {  	_ =	swait.ge @p0 [sflag:s0], $0x2710  }
0x1b: {  	s28 =	simm.s32 @p0 $0x13880;
	[sflag:s0] =	ssyncset.done @p0 $0x0  }
0x1c: {  	s31 =	simm.s32 @p0 $0x16000;
	[sflag:s0] =	ssyncadd.s32 @p0 $0xFFFFD8F0;
	s0 =	simm.s32 @p0 $0x68  }
0x1d: {  	[tilespmem:s31], [sflag:$0x1] =	stream.indirect.gather @p0 [hbm4b:s1+s0], $0x80, s28, s0, $0xb8;
	[tilespmem:$0x1FC00] =	vst v63  }
0x1e: {  	s28 =	simm.s32 @p0 $0x138E8;
	s31 =	simm.s32 @p0 $0x19400  }
0x1f: {  	[tilespmem:s31], [sflag:$0x2] =	stream.indirect.gather @p0 [hbm4b:s1+s0], $0x80, s28, s0, $0xb8;
	[tilespmem:$0x1FC00] =	vst v63  }
0x20: {  	s28 =	simm.s32 @p0 $0x13950;
	s31 =	simm.s32 @p0 $0x1C800  }
0x21: {  	[tilespmem:s31], [sflag:$0x3] =	stream.indirect.gather @p0 [hbm4b:s1+s0], $0x80, s28, s0, $0xb8;
	[tilespmem:$0x1FC00] =	vst v63  }
0x22: {  	s0 =	simm.s32 @p0 $0x4  }
0x23: {  	_ =	swait.ge @p0 [sflag:s0], $0x2700  }
0x24: {  	[sflag:s0] =	ssyncset.done @p0 $0x0  }
0x25: {  	[sflag:s0] =	ssyncadd.s32 @p0 $0xFFFFD900;
	s0 =	simm.s32 @!p0 $0x1C06  }
0x26: {  	[spmem:s19], [sflag:s0] =	dma.local @!p0 [hbm:s7], $0x100  }
0x27: {  	s0 =	simm.s32 @!p0 $0x5  }
0x28: {  	_ =	swait.ge @!p0 [sflag:s0], $0x2710  }
0x29: {  	s28 =	simm.s32 @!p0 $0x13880;
	[sflag:s0] =	ssyncset.done @!p0 $0x0  }
0x2a: {  	s31 =	simm.s32 @!p0 $0x16000;
	[sflag:s0] =	ssyncadd.s32 @!p0 $0xFFFFD8F0;
	s0 =	simm.s32 @!p0 $0x68  }
0x2b: {  	[tilespmem:s31], [sflag:$0x1] =	stream.indirect.gather @!p0 [hbm4b:s1+s0], $0x80, s28, s0, $0xb8;
	[tilespmem:$0x1FC00] =	vst v63  }
0x2c: {  	s28 =	simm.s32 @!p0 $0x138E8;
	s31 =	simm.s32 @!p0 $0x19400  }
0x2d: {  	[tilespmem:s31], [sflag:$0x2] =	stream.indirect.gather @!p0 [hbm4b:s1+s0], $0x80, s28, s0, $0xb8;
	[tilespmem:$0x1FC00] =	vst v63  }
0x2e: {  	s28 =	simm.s32 @!p0 $0x13950;
	s31 =	simm.s32 @!p0 $0x1C800  }
0x2f: {  	[tilespmem:s31], [sflag:$0x3] =	stream.indirect.gather @!p0 [hbm4b:s1+s0], $0x80, s28, s0, $0xb8;
	[tilespmem:$0x1FC00] =	vst v63  }
0x30: {  	s0 =	simm.s32 @!p0 $0x4  }
0x31: {  	_ =	swait.ge @!p0 [sflag:s0], $0x2700  }
0x32: {  	[sflag:s0] =	ssyncset.done @!p0 $0x0  }
0x33: {  	[sflag:s0] =	ssyncadd.s32 @!p0 $0xFFFFD900;
	s0 =	simm.s32 @!p0 $0x6  }
0x34: {  	_ =	swait.ge @!p0 [sflag:s0], $0x100  }
0x35: {  	[sflag:s0] =	ssyncset.done @!p0 $0x0  }
0x36: {  	[sflag:s0] =	ssyncadd.s32 @!p0 $0xFFFFFF00  }
0x37: {  	[bflag:$0x0] =	sbarrier.arrive $0xFFFF  }
0x38: {  	_ =	swait.ge [sflag:s20], $0x3400  }
0x39: {  	[sflag:s20] =	ssyncset.done $0x0  }
0x3a: {  	[sflag:s20] =	ssyncadd.s32 $0xFFFFCC00  }
0x3b: {  	[hbm4b:s8+s3] =	stream.linear.scatter [tilespmem:s21], [sflag:$0x7], $0x3400, $0x38;
	[tilespmem:$0x1FC00] =	vst v63  }
0x3c: {  	_ =	swait.ge [sflag:s22], $0x3400  }
0x3d: {  	[sflag:s22] =	ssyncset.done $0x0  }
0x3e: {  	s18 =	simm.s32 $0x139B8;
	[sflag:s22] =	ssyncadd.s32 $0xFFFFCC00  }
0x3f: {  	[tilespmem:s21], [sflag:$0x1] =	stream.indirect.gather [spmem:s2], $0x80, s18, s23, $0xb8;
	[tilespmem:$0x1FC00] =	vst v63  }
0x40: {  	_ =	swait.ge [sflag:s25], $0x3400  }
0x41: {  	[sflag:s25] =	ssyncset.done $0x0  }
0x42: {  	[sflag:s25] =	ssyncadd.s32 $0xFFFFCC00  }
0x43: {  	[hbm4b:s9+s3] =	stream.linear.scatter [tilespmem:s26], [sflag:$0x7], $0x3400, $0x38;
	[tilespmem:$0x1FC00] =	vst v63  }
0x44: {  	_ =	swait.ge [sflag:s22], $0x3400  }
0x45: {  	[sflag:s22] =	ssyncset.done $0x0  }
0x46: {  	s18 =	simm.s32 $0x13A20;
	[sflag:s22] =	ssyncadd.s32 $0xFFFFCC00  }
0x47: {  	[tilespmem:s26], [sflag:$0x2] =	stream.indirect.gather [spmem:s2], $0x80, s18, s23, $0xb8;
	[tilespmem:$0x1FC00] =	vst v63  }
0x48: {  	_ =	swait.ge [sflag:s29], $0x3400  }
0x49: {  	[sflag:s29] =	ssyncset.done $0x0  }
0x4a: {  	[sflag:s29] =	ssyncadd.s32 $0xFFFFCC00  }
0x4b: {  	[hbm4b:s10+s3] =	stream.linear.scatter [tilespmem:s30], [sflag:$0x7], $0x3400, $0x38;
	[tilespmem:$0x1FC00] =	vst v63  }
0x4c: {  	_ =	swait.ge [sflag:s22], $0x3400  }
0x4d: {  	[sflag:s22] =	ssyncset.done $0x0  }
0x4e: {  	s18 =	simm.s32 $0x13A88;
	[sflag:s22] =	ssyncadd.s32 $0xFFFFCC00  }
0x4f: {  	[tilespmem:s30], [sflag:$0x3] =	stream.indirect.gather [spmem:s2], $0x80, s18, s23, $0xb8;
	[tilespmem:$0x1FC00] =	vst v63  }
0x50: {  	_ =	swait.ge [sflag:s20], $0x3400  }
0x51: {  	[sflag:s20] =	ssyncset.done $0x0  }
0x52: {  	s18 =	sadd.s32 $0xFFFFF300, s16;
	[sflag:s20] =	ssyncadd.s32 $0xFFFFCC00  }
0x53: {  	[hbm4b:s18+s3] =	stream.linear.scatter [tilespmem:s21], [sflag:$0x7], $0x3400, $0x38;
	[tilespmem:$0x1FC00] =	vst v63  }
0x54: {  	_ =	swait.ge [sflag:s22], $0x3400  }
0x55: {  	[sflag:s22] =	ssyncset.done $0x0  }
0x56: {  	s18 =	simm.s32 $0x13AF0;
	[sflag:s22] =	ssyncadd.s32 $0xFFFFCC00  }
0x57: {  	[tilespmem:s21], [sflag:$0x1] =	stream.indirect.gather [spmem:s2], $0x80, s18, s23, $0xb8;
	[tilespmem:$0x1FC00] =	vst v63  }
0x58: {  	_ =	swait.ge [sflag:s25], $0x3400  }
0x59: {  	[sflag:s25] =	ssyncset.done $0x0  }
0x5a: {  	s18 =	sadd.s32 $0xFFFFF980, s16;
	[sflag:s25] =	ssyncadd.s32 $0xFFFFCC00  }
0x5b: {  	[hbm4b:s18+s3] =	stream.linear.scatter [tilespmem:s26], [sflag:$0x7], $0x3400, $0x38;
	[tilespmem:$0x1FC00] =	vst v63  }
0x5c: {  	_ =	swait.ge [sflag:s22], $0x3400  }
0x5d: {  	[sflag:s22] =	ssyncset.done $0x0  }
0x5e: {  	s18 =	simm.s32 $0x13B58;
	[sflag:s22] =	ssyncadd.s32 $0xFFFFCC00  }
0x5f: {  	[tilespmem:s26], [sflag:$0x2] =	stream.indirect.gather [spmem:s2], $0x80, s18, s23, $0xb8;
	[tilespmem:$0x1FC00] =	vst v63  }
0x60: {  	_ =	swait.ge [sflag:s29], $0x3400  }
0x61: {  	[sflag:s29] =	ssyncset.done $0x0  }
0x62: {  	[sflag:s29] =	ssyncadd.s32 $0xFFFFCC00  }
0x63: {  	[hbm4b:s16+s3] =	stream.linear.scatter [tilespmem:s30], [sflag:$0x7], $0x3400, $0x38;
	[tilespmem:$0x1FC00] =	vst v63  }
0x64: {  	_ =	swait.ge [sflag:s22], $0x3400  }
0x65: {  	s28 =	simm.s32 $0x4E0;
	[sflag:s22] =	ssyncset.done $0x0  }
0x66: {  	s31 =	sadd.s32 $0x1380, s16;
	s0 =	simm.s32 $0x13BC0;
	[sflag:s22] =	ssyncadd.s32 $0xFFFFCC00  }
.LBB2_2:
0x67: {  	[tilespmem:s30], [sflag:$0x3] =	stream.indirect.gather [spmem:s2], $0x80, s0, s23, $0xb8;
	[tilespmem:$0x1FC00] =	vst v63  }
0x68: {  	s0 =	smov.u32 s28  }
0x69: {  	p1 =	sne.s32 s28, $0x8D60;
	s28 =	sadd.s32 $0x4E0, s28;
	_ =	swait.ge [sflag:s20], $0x3400  }
0x6a: {  	[sflag:s20] =	ssyncset.done $0x0  }
0x6b: {  	s18 =	sadd.s32 $0xFFFFF300, s31;
	[sflag:s20] =	ssyncadd.s32 $0xFFFFCC00  }
0x6c: {  	[hbm4b:s18+s3] =	stream.linear.scatter [tilespmem:s21], [sflag:$0x7], $0x3400, $0x38;
	[tilespmem:$0x1FC00] =	vst v63  }
0x6d: {  	_ =	swait.ge [sflag:s22], $0x3400  }
0x6e: {  	s0 =	sshra.s32 s0, $0x2;
	[sflag:s22] =	ssyncset.done $0x0  }
0x6f: {  	s18 =	sadd.s32 $0x13AF0, s0;
	[sflag:s22] =	ssyncadd.s32 $0xFFFFCC00  }
0x70: {  	[tilespmem:s21], [sflag:$0x1] =	stream.indirect.gather [spmem:s2], $0x80, s18, s23, $0xb8;
	[tilespmem:$0x1FC00] =	vst v63  }
0x71: {  	_ =	swait.ge [sflag:s25], $0x3400  }
0x72: {  	[sflag:s25] =	ssyncset.done $0x0  }
0x73: {  	s18 =	sadd.s32 $0xFFFFF980, s31;
	[sflag:s25] =	ssyncadd.s32 $0xFFFFCC00  }
0x74: {  	[hbm4b:s18+s3] =	stream.linear.scatter [tilespmem:s26], [sflag:$0x7], $0x3400, $0x38;
	[tilespmem:$0x1FC00] =	vst v63  }
0x75: {  	_ =	swait.ge [sflag:s22], $0x3400  }
0x76: {  	[sflag:s22] =	ssyncset.done $0x0  }
0x77: {  	s18 =	sadd.s32 $0x13B58, s0;
	[sflag:s22] =	ssyncadd.s32 $0xFFFFCC00  }
0x78: {  	[tilespmem:s26], [sflag:$0x2] =	stream.indirect.gather [spmem:s2], $0x80, s18, s23, $0xb8;
	[tilespmem:$0x1FC00] =	vst v63  }
0x79: {  	_ =	swait.ge [sflag:s29], $0x3400  }
0x7a: {  	[sflag:s29] =	ssyncset.done $0x0  }
.Ltmp0:
0x7b: {  	[sflag:s29] =	ssyncadd.s32 $0xFFFFCC00;
	(pc) =	sbr.rel @p1 .LBB2_2-.Ltmp0, $4  }
0x7c: {  	[hbm4b:s31+s3] =	stream.linear.scatter [tilespmem:s30], [sflag:$0x7], $0x3400, $0x38;
	[tilespmem:$0x1FC00] =	vst v63  }
0x7d: {  	_ =	swait.ge [sflag:s22], $0x3400  }
0x7e: {  	[sflag:s22] =	ssyncset.done $0x0  }
0x7f: {  	s0 =	sadd.s32 $0x13BC0, s0;
	s31 =	sadd.s32 $0x1380, s31;
	[sflag:s22] =	ssyncadd.s32 $0xFFFFCC00  }
0x80: {  	[tilespmem:s30], [sflag:$0x3] =	stream.indirect.gather [spmem:s2], $0x80, s0, s23, $0xb8;
	[tilespmem:$0x1FC00] =	vst v63  }
0x81: {  	_ =	swait.ge [sflag:s20], $0x3400  }
0x82: {  	[sflag:s20] =	ssyncset.done $0x0  }
0x83: {  	[sflag:s20] =	ssyncadd.s32 $0xFFFFCC00  }
0x84: {  	[hbm4b:s11+s3] =	stream.linear.scatter [tilespmem:s21], [sflag:$0x7], $0x3400, $0x38;
	[tilespmem:$0x1FC00] =	vst v63  }
0x85: {  	_ =	swait.ge [sflag:s22], $0x3400  }
0x86: {  	[sflag:s22] =	ssyncset.done $0x0  }
0x87: {  	s31 =	simm.s32 $0x10;
	s18 =	simm.s32 $0x15F80;
	[sflag:s22] =	ssyncadd.s32 $0xFFFFCC00  }
0x88: {  	[tilespmem:s21], [sflag:$0x1] =	stream.indirect.gather [spmem:s2], $0x80, s18, s31, $0xb8;
	[tilespmem:$0x1FC00] =	vst v63  }
0x89: {  	_ =	swait.ge [sflag:s25], $0x3400  }
0x8a: {  	[sflag:s25] =	ssyncset.done $0x0  }
0x8b: {  	[sflag:s25] =	ssyncadd.s32 $0xFFFFCC00  }
0x8c: {  	[hbm4b:s12+s3] =	stream.linear.scatter [tilespmem:s26], [sflag:$0x7], $0x3400, $0x38;
	[tilespmem:$0x1FC00] =	vst v63  }
0x8d: {  	_ =	swait.ge [sflag:s22], $0x3400  }
0x8e: {  	[sflag:s22] =	ssyncset.done $0x0  }
0x8f: {  	[sflag:s22] =	ssyncadd.s32 $0xFFFFCC00  }
0x90: {  	_ =	swait.ge [sflag:s29], $0x3400  }
0x91: {  	[sflag:s29] =	ssyncset.done $0x0  }
0x92: {  	[sflag:s29] =	ssyncadd.s32 $0xFFFFCC00  }
0x93: {  	[hbm4b:s13+s3] =	stream.linear.scatter [tilespmem:s30], [sflag:$0x7], $0x3400, $0x38;
	[tilespmem:$0x1FC00] =	vst v63  }
0x94: {  	_ =	swait.ge [sflag:s22], $0x3400  }
0x95: {  	[sflag:s22] =	ssyncset.done $0x0  }
0x96: {  	[sflag:s22] =	ssyncadd.s32 $0xFFFFCC00  }
0x97: {  	s24 =	sadd.s32 $0x1, s24;
	_ =	swait.ge [sflag:s20], $0x800  }
0x98: {  	p1 =	sne.s32 s24, s15;
	[sflag:s20] =	ssyncset.done $0x0  }
.Ltmp1:
0x99: {  	[sflag:s20] =	ssyncadd.s32 $0xFFFFF800;
	(pc) =	sbr.rel @p1 .LBB2_1-.Ltmp1, $4  }
0x9a: {  	[hbm4b:s14+s3] =	stream.linear.scatter [tilespmem:s21], [sflag:$0x7], $0x800, $0x38;
	[tilespmem:$0x1FC00] =	vst v63  }
0x9b: {  	_ =	swait.ge [sflag:s22], $0x800  }
0x9c: {  	[sflag:s22] =	ssyncset.done $0x0  }
0x9d: {  	[sflag:s22] =	ssyncadd.s32 $0xFFFFF800  }
0x9e: {  	_ =	sfence.sel $0x180000  }
0x9f: {  	[bflag:$0x0] =	sbarrier.arrive $0xFFFF  }
0xa0: {  	_ =	strace $0x90000047  }
0xa1: {  	[bflag:$0x2] =	sbarrier.arrive $0xFFFF  }
0xa2: {  	s0 =	rddreg [dreg:$0x4]  }
0xa3: {  	s0 =	sadd.s32 @!p0 $0x100000, s0  }
0xa4: {  	[sflag:s0] =	ssyncadd.tile.s32 @!p0 $0x1;
	_ =	shalt  }
.Lfunc_end2:
_tile_overlayer_lowered:
.L_overlay_start_2:
0xa5: {  	(tag) =	ssettag $0x2  }
0xa6: {  	s0 =	rddreg [dreg:$0x0];
	s2 =	stileid.u32  }
0xa7: {  	s1 =	rddreg [dreg:$0x1];
	p0 =	sne.s32 s2, $0x0  }
0xa8: {  	s3 =	rddreg [dreg:$0x2];
	[bflag:$0x3] =	sbarrier.arrive $0xFFFF;
	s2 =	simm.s32 @!p0 $0x1C07  }
0xa9: {  	[timem:s3], [sflag:s2] =	dma.local @!p0 [hbm:s0], s1  }
0xaa: {  	s0 =	simm.s32 @!p0 $0x7  }
0xab: {  	_ =	swait.ge @!p0 [sflag:s0], s1  }
0xac: {  	s1 =	ssub.s32 @!p0 $0x0, s1;
	[sflag:s0] =	ssyncset.done @!p0 $0x0  }
0xad: {  	[sflag:s0] =	ssyncadd.s32 @!p0 s1  }
0xae: {  	[bflag:$0x3] =	sbarrier.arrive $0xFFFF  }
0xaf: {  	_ =	shalt  }

</sc_bundles>
